<compile_context>
chip_gen: v7x
topology: tpu7x:2x2x1
jax: 0.10.2.dev20260603
libtpu: 0.0.44.dev20260713+nightly
codegen_flags: <defaults>
</compile_context>

<pallas_src>
import functools

import jax
import jax.numpy as jnp
from jax import lax
from jax.experimental import pallas as pl
from jax.experimental.pallas import tpu as pltpu
from jax.experimental.pallas import tpu_sc as plsc

_DIM = 32
_SEQ = 50
_PAD = 128
_BT = 128
_NW = 32
_Q = 5


def _gather_body(table_hbm, idx_hbm, out_hbm, idx_vb, idx_c, g_all, stage,
                 gsa, gsb, osa, osb):
    n_batch = idx_hbm.shape[0]
    nbt_w = n_batch // _BT // _NW
    upb = _SEQ // _Q
    n_unit = nbt_w * upb
    wid = lax.axis_index("s") * 2 + lax.axis_index("c")
    lane = lax.iota(jnp.int32, 16)

    def unit_pos(u):
        btl = (u * 13) >> 7
        s0 = (u - btl * upb) * _Q
        bt = wid * nbt_w + btl
        return s0, bt

    def build(u, p):
        s0, bt = unit_pos(u)
        b0 = pl.multiple_of(bt * _BT, _BT)

        @pl.when(s0 == 0)
        def _():
            pltpu.sync_copy(idx_hbm.at[pl.ds(b0, _BT)], idx_vb)

        def body(i, c_):
            for k in range(8):
                v = plsc.load_gather(
                    idx_vb, [k * 16 + lane, s0 + i + 0 * lane])
                idx_c[p, i, pl.ds(k * 16, 16)] = plsc.bitcast(v, jnp.int32)
            return c_

        lax.fori_loop(0, _Q, body, 0)

    def fire(p, sem):
        def body(i, c_):
            pltpu.async_copy(
                table_hbm.at[idx_c.at[p, i]], g_all.at[p, i], sem)
            return c_

        lax.fori_loop(0, _Q, body, 0)

    def drain_gather(sem):
        def body(i, c_):
            pltpu.make_async_copy(
                table_hbm.at[pl.ds(0, _BT)], g_all.at[0, 0], sem).wait()
            return c_

        lax.fori_loop(0, _Q, body, 0)

    ct_lo = lane >> 3
    ct_hi = ct_lo + 2
    inner = (lane & 7) * _BT

    def xpose(p):
        stage_p = stage.at[p]

        def body(r, c_):
            i = r >> 7
            bi = r - (i << 7)
            v1 = g_all[p, i, bi, pl.ds(0, 16)]
            v2 = g_all[p, i, bi, pl.ds(16, 16)]
            iv = i + 0 * lane
            bv = inner + bi
            plsc.store_scatter(stage_p, [iv, ct_lo, bv], v1)
            plsc.store_scatter(stage_p, [iv, ct_hi, bv], v2)
            return c_

        lax.fori_loop(0, _Q * _BT, body, 0)

    def put(u, p, sem):
        s0, bt = unit_pos(u)
        pltpu.async_copy(stage.at[p], out_hbm.at[pl.ds(s0, _Q), :, bt], sem)

    def drain_put(p, sem):
        pltpu.make_async_copy(
            stage.at[p], out_hbm.at[pl.ds(0, _Q), :, 0], sem).wait()

    build(0, 0)
    fire(0, gsa)

    def pair(t, carry):
        u0 = t * 2
        u1 = u0 + 1

        build(u1, 1)
        fire(1, gsb)
        drain_gather(gsa)

        @pl.when(t > 0)
        def _():
            drain_put(0, osa)

        xpose(0)
        put(u0, 0, osa)

        @pl.when(u0 + 2 < n_unit)
        def _():
            build(u0 + 2, 0)
            fire(0, gsa)

        drain_gather(gsb)

        @pl.when(t > 0)
        def _():
            drain_put(1, osb)

        xpose(1)
        put(u1, 1, osb)
        return carry

    lax.fori_loop(0, n_unit // 2, pair, 0)
    drain_put(0, osa)
    drain_put(1, osb)


@functools.partial(jax.jit, static_argnums=2)
def _sc_gather(idx_f, weight, n_batch):
    mesh = plsc.VectorSubcoreMesh(core_axis_name="c", subcore_axis_name="s")
    return pl.kernel(
        _gather_body,
        out_type=jax.ShapeDtypeStruct(
            (_SEQ, _DIM // 8, n_batch // _BT, 8 * _BT), jnp.float32),
        mesh=mesh,
        scratch_types=[
            pltpu.VMEM((_BT, _PAD), jnp.float32),
            pltpu.VMEM((2, _Q, _BT), jnp.int32),
            pltpu.VMEM((2, _Q, _BT, _DIM), jnp.float32),
            pltpu.VMEM((2, _Q, _DIM // 8, 8 * _BT), jnp.float32),
            pltpu.SemaphoreType.DMA,
            pltpu.SemaphoreType.DMA,
            pltpu.SemaphoreType.DMA,
            pltpu.SemaphoreType.DMA,
        ],
        compiler_params=pltpu.CompilerParams(
            use_tc_tiling_on_sc=False, needs_layout_passes=False),
    )(weight, idx_f)


def kernel(indices, weight):
    n_batch = indices.shape[0]
    idx_pad = jnp.pad(indices.astype(jnp.int32), ((0, 0), (0, _PAD - _SEQ)))
    idx_f = jax.lax.bitcast_convert_type(idx_pad, jnp.float32)
    out_k = _sc_gather(idx_f, weight, n_batch)
    out_k = out_k.reshape(_SEQ, _DIM // 8, n_batch // _BT, 8, _BT)
    return out_k.transpose(2, 4, 0, 1, 3).reshape(n_batch, _SEQ, _DIM)

# --- scband reference (transcript-rebuilt; emitter-appended) ---
"""Pipeline reference for scband-embedding-56727928046223 (READ-ONLY COPY).

The authoritative reference and input builder live on the scoring server;
editing this copy changes nothing except your own understanding.
"""

import jax, jax.numpy as jnp
import numpy as np

NUM_EMBEDDINGS = 1000000
EMBEDDING_DIM = 32

def setup_inputs(seed: int = 0) -> dict:
    key = jax.random.key(seed)
    k_idx, k_w = jax.random.split(key)
    indices = jax.random.randint(k_idx, (16384, 50), 0, NUM_EMBEDDINGS, dtype=jnp.int64 if jax.config.jax_enable_x64 else jnp.int32)
    # weight initialized with normal_() fan-based init: std = 1/sqrt(fan_in) approximated by standard normal scaled
    weight = jax.random.normal(k_w, (NUM_EMBEDDINGS, EMBEDDING_DIM), dtype=jnp.float32) * (1.0 / np.sqrt(NUM_EMBEDDINGS))
    return {"indices": indices, "weight": weight}

def reference(indices, weight):
    # nn.Embedding forward: gather rows of the table
    return jnp.take(weight, indices, axis=0)

if __name__ == "__main__":
    import jax
    _d = setup_inputs()
    print(jax.jit(kernel)(*tuple(_d.values())))

</pallas_src>

<mosaic_0001>
#map = affine_map<(d0, d1) -> (0, 0)>
#map1 = affine_map<(d0, d1) -> (0, 0, 0, 0)>
module attributes {stable_mosaic.version = 14 : i64} {
  func.func @_gather_body(%arg0: i32, %arg1: i32, %arg2: memref<1000000x32xf32, #tpu.memory_space<hbm>>, %arg3: memref<16384x128xf32, #tpu.memory_space<hbm>>, %arg4: memref<50x4x128x1024xf32, #tpu.memory_space<hbm>>, %arg5: memref<128x128xf32, #tpu.memory_space<vmem>>, %arg6: memref<2x5x128xi32, #tpu.memory_space<vmem>>, %arg7: memref<2x5x128x32xf32, #tpu.memory_space<vmem>>, %arg8: memref<2x5x4x1024xf32, #tpu.memory_space<vmem>>, %arg9: memref<!tpu.dma_semaphore, #tpu.memory_space<semaphore_mem>>, %arg10: memref<!tpu.dma_semaphore, #tpu.memory_space<semaphore_mem>>, %arg11: memref<!tpu.dma_semaphore, #tpu.memory_space<semaphore_mem>>, %arg12: memref<!tpu.dma_semaphore, #tpu.memory_space<semaphore_mem>>) attributes {dimension_semantics = [#tpu.dimension_semantics<core_parallel>, #tpu.dimension_semantics<subcore_parallel>], iteration_bounds = array<i64: 2, 16>, scalar_prefetch = 0 : i64, scratch_operands = 8 : i64, tpu.core_type = #tpu.core_type<sc_vector_subcore>, window_params = [{transform_indices = #map}, {transform_indices = #map}, {transform_indices = #map1}]} {
    %mul3A = arith.constant 2 : i32
    %mul3A_0 = arith.muli %arg1, %mul3A : i32
    %add3A = arith.addi %mul3A_0, %arg0 : i32
    %iota3A = tpu.iota {dimensions = array<i32: 0>} : vector<16xi32>
    %shift_right_arithmetic3A = arith.constant 3 : i32
    %shift_right_arithmetic3A_1 = vector.broadcast %shift_right_arithmetic3A : i32 to vector<16xi32>
    %shift_right_arithmetic3A_2 = arith.shrsi %iota3A, %shift_right_arithmetic3A_1 : vector<16xi32>
    %add3A_3 = arith.constant 2 : i32
    %add3A_4 = vector.broadcast %add3A_3 : i32 to vector<16xi32>
    %add3A_5 = arith.addi %shift_right_arithmetic3A_2, %add3A_4 : vector<16xi32>
    %and3A = arith.constant 7 : i32
    %and3A_6 = vector.broadcast %and3A : i32 to vector<16xi32>
    %and3A_7 = arith.andi %iota3A, %and3A_6 : vector<16xi32>
    %mul3A_8 = arith.constant 128 : i32
    %mul3A_9 = vector.broadcast %mul3A_8 : i32 to vector<16xi32>
    %mul3A_10 = arith.muli %and3A_7, %mul3A_9 : vector<16xi32>
    %mul3A_11 = arith.constant 4 : i32
    %mul3A_12 = arith.muli %add3A, %mul3A_11 : i32
    %add3A_13 = arith.constant 0 : i32
    %add3A_14 = arith.addi %mul3A_12, %add3A_13 : i32
    %mul3A_15 = arith.constant 128 : i32
    %mul3A_16 = arith.muli %add3A_14, %mul3A_15 : i32
    %multiple_of3A = tpu.assume_multiple %mul3A_16, 128 : i32
    "tpu.region"() ({
      %run_scoped3A = tpu.sem_alloc : memref<!tpu.dma_semaphore, #tpu.memory_space<semaphore_mem>>
      %dma_start3A = arith.constant 0 : i32
      %dma_start3A_77 = tpu.memref_slice %arg3[%multiple_of3A, %dma_start3A] : memref<16384x128xf32, #tpu.memory_space<hbm>> -> memref<128x128xf32, #tpu.memory_space<hbm>>
      %dma_start3A_78 = arith.constant 0 : i32
      %dma_start3A_79 = tpu.memref_slice %arg3[%multiple_of3A, %dma_start3A_78] : memref<16384x128xf32, #tpu.memory_space<hbm>> -> memref<128x128xf32, #tpu.memory_space<hbm>>
      tpu.enqueue_dma source(%dma_start3A_79 : memref<128x128xf32, #tpu.memory_space<hbm>>) target(%arg5 : memref<128x128xf32, #tpu.memory_space<vmem>>) target_semaphore(%run_scoped3A : memref<!tpu.dma_semaphore, #tpu.memory_space<semaphore_mem>>)
      %dma_wait3A_80 = arith.constant 0 : i32
      %dma_wait3A_81 = tpu.memref_slice %arg3[%multiple_of3A, %dma_wait3A_80] : memref<16384x128xf32, #tpu.memory_space<hbm>> -> memref<128x128xf32, #tpu.memory_space<hbm>>
      %dma_wait3A_82 = arith.constant 0 : i32
      %dma_wait3A_83 = tpu.memref_slice %arg3[%multiple_of3A, %dma_wait3A_82] : memref<16384x128xf32, #tpu.memory_space<hbm>> -> memref<128x128xf32, #tpu.memory_space<hbm>>
      tpu.wait_dma2 semaphore(%run_scoped3A : memref<!tpu.dma_semaphore, #tpu.memory_space<semaphore_mem>>) src(%dma_wait3A_83 : memref<128x128xf32, #tpu.memory_space<hbm>>) dst(%arg5 : memref<128x128xf32, #tpu.memory_space<vmem>>)
      tpu.yield
    }) : () -> ()
    %scan3A = arith.constant 0 : i32
    %scan3A_17 = arith.constant 0 : i32
    %scan3A_18 = arith.constant 5 : i32
    %scan3A_19 = arith.addi %scan3A_17, %scan3A_18 : i32
    %scan3A_20 = arith.constant 1 : i32
    scf.for %scan3A_77 = %scan3A_17 to %scan3A_19 step %scan3A_20  : i32 {
      %add3A_78 = arith.constant 0 : i32
      %add3A_79 = vector.broadcast %add3A_78 : i32 to vector<16xi32>
      %add3A_80 = arith.addi %add3A_79, %iota3A : vector<16xi32>
      %add3A_81 = arith.constant 0 : i32
      %add3A_82 = arith.addi %add3A_81, %scan3A_77 : i32
      %mul3A_83 = arith.constant 0 : i32
      %mul3A_84 = vector.broadcast %mul3A_83 : i32 to vector<16xi32>
      %mul3A_85 = arith.muli %mul3A_84, %iota3A : vector<16xi32>
      %add3A_86 = vector.broadcast %add3A_82 : i32 to vector<16xi32>
      %add3A_87 = arith.addi %add3A_86, %mul3A_85 : vector<16xi32>
      %gather3A = tpu.vector_load_idx %arg5[%add3A_80, %add3A_87] : memref<128x128xf32, #tpu.memory_space<vmem>>[vector<16xi32>, vector<16xi32>], vector<16xf32>,
      %bitcast3A = vector.bitcast %gather3A : vector<16xf32> to vector<16xi32>
      %swap3A = arith.constant 0 : i32
      %swap3A_88 = arith.index_cast %swap3A : i32 to index
      %swap3A_89 = arith.index_cast %scan3A_77 : i32 to index
      %swap3A_90 = arith.constant 0 : index
      %swap3A_91 = tpu.vector_load %arg6[%swap3A_88, %swap3A_89, %swap3A_90] {strides = array<i32>} : memref<2x5x128xi32, #tpu.memory_space<vmem>>, vector<16xi32>,
      tpu.vector_store %arg6[%swap3A_88, %swap3A_89, %swap3A_90], %bitcast3A {strides = array<i32>} : memref<2x5x128xi32, #tpu.memory_space<vmem>>, vector<16xi32>,
      %add3A_92 = arith.constant 16 : i32
      %add3A_93 = vector.broadcast %add3A_92 : i32 to vector<16xi32>
      %add3A_94 = arith.addi %add3A_93, %iota3A : vector<16xi32>
      %add3A_95 = arith.constant 0 : i32
      %add3A_96 = arith.addi %add3A_95, %scan3A_77 : i32
      %mul3A_97 = arith.constant 0 : i32
      %mul3A_98 = vector.broadcast %mul3A_97 : i32 to vector<16xi32>
      %mul3A_99 = arith.muli %mul3A_98, %iota3A : vector<16xi32>
      %add3A_100 = vector.broadcast %add3A_96 : i32 to vector<16xi32>
      %add3A_101 = arith.addi %add3A_100, %mul3A_99 : vector<16xi32>
      %gather3A_102 = tpu.vector_load_idx %arg5[%add3A_94, %add3A_101] : memref<128x128xf32, #tpu.memory_space<vmem>>[vector<16xi32>, vector<16xi32>], vector<16xf32>,
      %bitcast3A_103 = vector.bitcast %gather3A_102 : vector<16xf32> to vector<16xi32>
      %swap3A_104 = arith.constant 0 : i32
      %swap3A_105 = arith.index_cast %swap3A_104 : i32 to index
      %swap3A_106 = arith.index_cast %scan3A_77 : i32 to index
      %swap3A_107 = arith.constant 16 : index
      %swap3A_108 = tpu.vector_load %arg6[%swap3A_105, %swap3A_106, %swap3A_107] {strides = array<i32>} : memref<2x5x128xi32, #tpu.memory_space<vmem>>, vector<16xi32>,
      tpu.vector_store %arg6[%swap3A_105, %swap3A_106, %swap3A_107], %bitcast3A_103 {strides = array<i32>} : memref<2x5x128xi32, #tpu.memory_space<vmem>>, vector<16xi32>,
      %add3A_109 = arith.constant 32 : i32
      %add3A_110 = vector.broadcast %add3A_109 : i32 to vector<16xi32>
      %add3A_111 = arith.addi %add3A_110, %iota3A : vector<16xi32>
      %add3A_112 = arith.constant 0 : i32
      %add3A_113 = arith.addi %add3A_112, %scan3A_77 : i32
      %mul3A_114 = arith.constant 0 : i32
      %mul3A_115 = vector.broadcast %mul3A_114 : i32 to vector<16xi32>
      %mul3A_116 = arith.muli %mul3A_115, %iota3A : vector<16xi32>
      %add3A_117 = vector.broadcast %add3A_113 : i32 to vector<16xi32>
      %add3A_118 = arith.addi %add3A_117, %mul3A_116 : vector<16xi32>
      %gather3A_119 = tpu.vector_load_idx %arg5[%add3A_111, %add3A_118] : memref<128x128xf32, #tpu.memory_space<vmem>>[vector<16xi32>, vector<16xi32>], vector<16xf32>,
      %bitcast3A_120 = vector.bitcast %gather3A_119 : vector<16xf32> to vector<16xi32>
      %swap3A_121 = arith.constant 0 : i32
      %swap3A_122 = arith.index_cast %swap3A_121 : i32 to index
      %swap3A_123 = arith.index_cast %scan3A_77 : i32 to index
      %swap3A_124 = arith.constant 32 : index
      %swap3A_125 = tpu.vector_load %arg6[%swap3A_122, %swap3A_123, %swap3A_124] {strides = array<i32>} : memref<2x5x128xi32, #tpu.memory_space<vmem>>, vector<16xi32>,
      tpu.vector_store %arg6[%swap3A_122, %swap3A_123, %swap3A_124], %bitcast3A_120 {strides = array<i32>} : memref<2x5x128xi32, #tpu.memory_space<vmem>>, vector<16xi32>,
      %add3A_126 = arith.constant 48 : i32
      %add3A_127 = vector.broadcast %add3A_126 : i32 to vector<16xi32>
      %add3A_128 = arith.addi %add3A_127, %iota3A : vector<16xi32>
      %add3A_129 = arith.constant 0 : i32
      %add3A_130 = arith.addi %add3A_129, %scan3A_77 : i32
      %mul3A_131 = arith.constant 0 : i32
      %mul3A_132 = vector.broadcast %mul3A_131 : i32 to vector<16xi32>
      %mul3A_133 = arith.muli %mul3A_132, %iota3A : vector<16xi32>
      %add3A_134 = vector.broadcast %add3A_130 : i32 to vector<16xi32>
      %add3A_135 = arith.addi %add3A_134, %mul3A_133 : vector<16xi32>
      %gather3A_136 = tpu.vector_load_idx %arg5[%add3A_128, %add3A_135] : memref<128x128xf32, #tpu.memory_space<vmem>>[vector<16xi32>, vector<16xi32>], vector<16xf32>,
      %bitcast3A_137 = vector.bitcast %gather3A_136 : vector<16xf32> to vector<16xi32>
      %swap3A_138 = arith.constant 0 : i32
      %swap3A_139 = arith.index_cast %swap3A_138 : i32 to index
      %swap3A_140 = arith.index_cast %scan3A_77 : i32 to index
      %swap3A_141 = arith.constant 48 : index
      %swap3A_142 = tpu.vector_load %arg6[%swap3A_139, %swap3A_140, %swap3A_141] {strides = array<i32>} : memref<2x5x128xi32, #tpu.memory_space<vmem>>, vector<16xi32>,
      tpu.vector_store %arg6[%swap3A_139, %swap3A_140, %swap3A_141], %bitcast3A_137 {strides = array<i32>} : memref<2x5x128xi32, #tpu.memory_space<vmem>>, vector<16xi32>,
      %add3A_143 = arith.constant 64 : i32
      %add3A_144 = vector.broadcast %add3A_143 : i32 to vector<16xi32>
      %add3A_145 = arith.addi %add3A_144, %iota3A : vector<16xi32>
      %add3A_146 = arith.constant 0 : i32
      %add3A_147 = arith.addi %add3A_146, %scan3A_77 : i32
      %mul3A_148 = arith.constant 0 : i32
      %mul3A_149 = vector.broadcast %mul3A_148 : i32 to vector<16xi32>
      %mul3A_150 = arith.muli %mul3A_149, %iota3A : vector<16xi32>
      %add3A_151 = vector.broadcast %add3A_147 : i32 to vector<16xi32>
      %add3A_152 = arith.addi %add3A_151, %mul3A_150 : vector<16xi32>
      %gather3A_153 = tpu.vector_load_idx %arg5[%add3A_145, %add3A_152] : memref<128x128xf32, #tpu.memory_space<vmem>>[vector<16xi32>, vector<16xi32>], vector<16xf32>,
      %bitcast3A_154 = vector.bitcast %gather3A_153 : vector<16xf32> to vector<16xi32>
      %swap3A_155 = arith.constant 0 : i32
      %swap3A_156 = arith.index_cast %swap3A_155 : i32 to index
      %swap3A_157 = arith.index_cast %scan3A_77 : i32 to index
      %swap3A_158 = arith.constant 64 : index
      %swap3A_159 = tpu.vector_load %arg6[%swap3A_156, %swap3A_157, %swap3A_158] {strides = array<i32>} : memref<2x5x128xi32, #tpu.memory_space<vmem>>, vector<16xi32>,
      tpu.vector_store %arg6[%swap3A_156, %swap3A_157, %swap3A_158], %bitcast3A_154 {strides = array<i32>} : memref<2x5x128xi32, #tpu.memory_space<vmem>>, vector<16xi32>,
      %add3A_160 = arith.constant 80 : i32
      %add3A_161 = vector.broadcast %add3A_160 : i32 to vector<16xi32>
      %add3A_162 = arith.addi %add3A_161, %iota3A : vector<16xi32>
      %add3A_163 = arith.constant 0 : i32
      %add3A_164 = arith.addi %add3A_163, %scan3A_77 : i32
      %mul3A_165 = arith.constant 0 : i32
      %mul3A_166 = vector.broadcast %mul3A_165 : i32 to vector<16xi32>
      %mul3A_167 = arith.muli %mul3A_166, %iota3A : vector<16xi32>
      %add3A_168 = vector.broadcast %add3A_164 : i32 to vector<16xi32>
      %add3A_169 = arith.addi %add3A_168, %mul3A_167 : vector<16xi32>
      %gather3A_170 = tpu.vector_load_idx %arg5[%add3A_162, %add3A_169] : memref<128x128xf32, #tpu.memory_space<vmem>>[vector<16xi32>, vector<16xi32>], vector<16xf32>,
      %bitcast3A_171 = vector.bitcast %gather3A_170 : vector<16xf32> to vector<16xi32>
      %swap3A_172 = arith.constant 0 : i32
      %swap3A_173 = arith.index_cast %swap3A_172 : i32 to index
      %swap3A_174 = arith.index_cast %scan3A_77 : i32 to index
      %swap3A_175 = arith.constant 80 : index
      %swap3A_176 = tpu.vector_load %arg6[%swap3A_173, %swap3A_174, %swap3A_175] {strides = array<i32>} : memref<2x5x128xi32, #tpu.memory_space<vmem>>, vector<16xi32>,
      tpu.vector_store %arg6[%swap3A_173, %swap3A_174, %swap3A_175], %bitcast3A_171 {strides = array<i32>} : memref<2x5x128xi32, #tpu.memory_space<vmem>>, vector<16xi32>,
      %add3A_177 = arith.constant 96 : i32
      %add3A_178 = vector.broadcast %add3A_177 : i32 to vector<16xi32>
      %add3A_179 = arith.addi %add3A_178, %iota3A : vector<16xi32>
      %add3A_180 = arith.constant 0 : i32
      %add3A_181 = arith.addi %add3A_180, %scan3A_77 : i32
      %mul3A_182 = arith.constant 0 : i32
      %mul3A_183 = vector.broadcast %mul3A_182 : i32 to vector<16xi32>
      %mul3A_184 = arith.muli %mul3A_183, %iota3A : vector<16xi32>
      %add3A_185 = vector.broadcast %add3A_181 : i32 to vector<16xi32>
      %add3A_186 = arith.addi %add3A_185, %mul3A_184 : vector<16xi32>
      %gather3A_187 = tpu.vector_load_idx %arg5[%add3A_179, %add3A_186] : memref<128x128xf32, #tpu.memory_space<vmem>>[vector<16xi32>, vector<16xi32>], vector<16xf32>,
      %bitcast3A_188 = vector.bitcast %gather3A_187 : vector<16xf32> to vector<16xi32>
      %swap3A_189 = arith.constant 0 : i32
      %swap3A_190 = arith.index_cast %swap3A_189 : i32 to index
      %swap3A_191 = arith.index_cast %scan3A_77 : i32 to index
      %swap3A_192 = arith.constant 96 : index
      %swap3A_193 = tpu.vector_load %arg6[%swap3A_190, %swap3A_191, %swap3A_192] {strides = array<i32>} : memref<2x5x128xi32, #tpu.memory_space<vmem>>, vector<16xi32>,
      tpu.vector_store %arg6[%swap3A_190, %swap3A_191, %swap3A_192], %bitcast3A_188 {strides = array<i32>} : memref<2x5x128xi32, #tpu.memory_space<vmem>>, vector<16xi32>,
      %add3A_194 = arith.constant 112 : i32
      %add3A_195 = vector.broadcast %add3A_194 : i32 to vector<16xi32>
      %add3A_196 = arith.addi %add3A_195, %iota3A : vector<16xi32>
      %add3A_197 = arith.constant 0 : i32
      %add3A_198 = arith.addi %add3A_197, %scan3A_77 : i32
      %mul3A_199 = arith.constant 0 : i32
      %mul3A_200 = vector.broadcast %mul3A_199 : i32 to vector<16xi32>
      %mul3A_201 = arith.muli %mul3A_200, %iota3A : vector<16xi32>
      %add3A_202 = vector.broadcast %add3A_198 : i32 to vector<16xi32>
      %add3A_203 = arith.addi %add3A_202, %mul3A_201 : vector<16xi32>
      %gather3A_204 = tpu.vector_load_idx %arg5[%add3A_196, %add3A_203] : memref<128x128xf32, #tpu.memory_space<vmem>>[vector<16xi32>, vector<16xi32>], vector<16xf32>,
      %bitcast3A_205 = vector.bitcast %gather3A_204 : vector<16xf32> to vector<16xi32>
      %swap3A_206 = arith.constant 0 : i32
      %swap3A_207 = arith.index_cast %swap3A_206 : i32 to index
      %swap3A_208 = arith.index_cast %scan3A_77 : i32 to index
      %swap3A_209 = arith.constant 112 : index
      %swap3A_210 = tpu.vector_load %arg6[%swap3A_207, %swap3A_208, %swap3A_209] {strides = array<i32>} : memref<2x5x128xi32, #tpu.memory_space<vmem>>, vector<16xi32>,
      tpu.vector_store %arg6[%swap3A_207, %swap3A_208, %swap3A_209], %bitcast3A_205 {strides = array<i32>} : memref<2x5x128xi32, #tpu.memory_space<vmem>>, vector<16xi32>,
    }
    %scan3A_21 = arith.constant 5 : i32
    %scan3A_22 = arith.constant 0 : i32
    %scan3A_23 = arith.constant 0 : i32
    %scan3A_24 = arith.constant 5 : i32
    %scan3A_25 = arith.addi %scan3A_23, %scan3A_24 : i32
    %scan3A_26 = arith.constant 1 : i32
    scf.for %scan3A_77 = %scan3A_23 to %scan3A_25 step %scan3A_26  : i32 {
      %dma_start3A = arith.constant 0 : i32
      %dma_start3A_78 = arith.constant 0 : i32
      %dma_start3A_79 = arith.constant 0 : i32
      %dma_start3A_80 = arith.constant 0 : i32
      %dma_start3A_81 = tpu.memref_slice %arg7[%dma_start3A_78, %scan3A_77, %dma_start3A_79, %dma_start3A_80] : memref<2x5x128x32xf32, #tpu.memory_space<vmem>> -> memref<1x1x128x32xf32, #tpu.memory_space<vmem>>
      %dma_start3A_82 = tpu.memref_squeeze %dma_start3A_81 : memref<1x1x128x32xf32, #tpu.memory_space<vmem>> -> memref<128x32xf32, #tpu.memory_space<vmem>>
      %dma_start3A_83 = arith.constant 0 : i32
      %dma_start3A_84 = tpu.memref_slice %arg6[%dma_start3A, %scan3A_77, %dma_start3A_83] : memref<2x5x128xi32, #tpu.memory_space<vmem>> -> memref<1x1x128xi32, #tpu.memory_space<vmem>>
      %dma_start3A_85 = tpu.memref_squeeze %dma_start3A_84 : memref<1x1x128xi32, #tpu.memory_space<vmem>> -> memref<128xi32, #tpu.memory_space<vmem>>
      %dma_start3A_86 = arith.constant 0 : i32
      %dma_start3A_87 = arith.constant 0 : i32
      %dma_start3A_88 = tpu.memref_slice %arg2[%dma_start3A_86, %dma_start3A_87] : memref<1000000x32xf32, #tpu.memory_space<hbm>> -> memref<1000000x32xf32, #tpu.memory_space<hbm>>
      tpu.enqueue_indirect_dma source(%dma_start3A_88 : memref<1000000x32xf32, #tpu.memory_space<hbm>>) target(%dma_start3A_82 : memref<128x32xf32, #tpu.memory_space<vmem>>) offsets(%dma_start3A_85 : memref<128xi32, #tpu.memory_space<vmem>>) semaphore(%arg9 : memref<!tpu.dma_semaphore, #tpu.memory_space<semaphore_mem>>)
    }
    %scan3A_27 = arith.constant 5 : i32
    %scan3A_28 = arith.constant 0 : i32
    %scan3A_29 = arith.constant 0 : i32
    %scan3A_30 = arith.constant 20 : i32
    %scan3A_31 = arith.addi %scan3A_29, %scan3A_30 : i32
    %scan3A_32 = arith.constant 1 : i32
    scf.for %scan3A_77 = %scan3A_29 to %scan3A_31 step %scan3A_32  : i32 {
      %mul3A_78 = arith.constant 2 : i32
      %mul3A_79 = arith.muli %scan3A_77, %mul3A_78 : i32
      %add3A_80 = arith.constant 1 : i32
      %add3A_81 = arith.addi %mul3A_79, %add3A_80 : i32
      %mul3A_82 = arith.constant 13 : i32
      %mul3A_83 = arith.muli %add3A_81, %mul3A_82 : i32
      %shift_right_arithmetic3A_84 = arith.constant 7 : i32
      %shift_right_arithmetic3A_85 = arith.shrsi %mul3A_83, %shift_right_arithmetic3A_84 : i32
      %mul3A_86 = arith.constant 10 : i32
      %mul3A_87 = arith.muli %shift_right_arithmetic3A_85, %mul3A_86 : i32
      %sub3A = arith.subi %add3A_81, %mul3A_87 : i32
      %mul3A_88 = arith.constant 5 : i32
      %mul3A_89 = arith.muli %sub3A, %mul3A_88 : i32
      %mul3A_90 = arith.constant 4 : i32
      %mul3A_91 = arith.muli %add3A, %mul3A_90 : i32
      %add3A_92 = arith.addi %mul3A_91, %shift_right_arithmetic3A_85 : i32
      %mul3A_93 = arith.constant 128 : i32
      %mul3A_94 = arith.muli %add3A_92, %mul3A_93 : i32
      %multiple_of3A_95 = tpu.assume_multiple %mul3A_94, 128 : i32
      %eq3A = arith.constant 0 : i32
      %eq3A_96 = arith.cmpi eq, %mul3A_89, %eq3A : i32
      %convert_element_type3A = arith.extui %eq3A_96 : i1 to i32
      %cond3A = arith.constant 0 : i32
      %cond3A_97 = arith.cmpi ne, %convert_element_type3A, %cond3A : i32
      scf.if %cond3A_97 {
        "tpu.region"() ({
          %run_scoped3A = tpu.sem_alloc : memref<!tpu.dma_semaphore, #tpu.memory_space<semaphore_mem>>
          %dma_start3A_212 = arith.constant 0 : i32
          %dma_start3A_213 = tpu.memref_slice %arg3[%multiple_of3A_95, %dma_start3A_212] : memref<16384x128xf32, #tpu.memory_space<hbm>> -> memref<128x128xf32, #tpu.memory_space<hbm>>
          %dma_start3A_214 = arith.constant 0 : i32
          %dma_start3A_215 = tpu.memref_slice %arg3[%multiple_of3A_95, %dma_start3A_214] : memref<16384x128xf32, #tpu.memory_space<hbm>> -> memref<128x128xf32, #tpu.memory_space<hbm>>
          tpu.enqueue_dma source(%dma_start3A_215 : memref<128x128xf32, #tpu.memory_space<hbm>>) target(%arg5 : memref<128x128xf32, #tpu.memory_space<vmem>>) target_semaphore(%run_scoped3A : memref<!tpu.dma_semaphore, #tpu.memory_space<semaphore_mem>>)
          %dma_wait3A_216 = arith.constant 0 : i32
          %dma_wait3A_217 = tpu.memref_slice %arg3[%multiple_of3A_95, %dma_wait3A_216] : memref<16384x128xf32, #tpu.memory_space<hbm>> -> memref<128x128xf32, #tpu.memory_space<hbm>>
          %dma_wait3A_218 = arith.constant 0 : i32
          %dma_wait3A_219 = tpu.memref_slice %arg3[%multiple_of3A_95, %dma_wait3A_218] : memref<16384x128xf32, #tpu.memory_space<hbm>> -> memref<128x128xf32, #tpu.memory_space<hbm>>
          tpu.wait_dma2 semaphore(%run_scoped3A : memref<!tpu.dma_semaphore, #tpu.memory_space<semaphore_mem>>) src(%dma_wait3A_219 : memref<128x128xf32, #tpu.memory_space<hbm>>) dst(%arg5 : memref<128x128xf32, #tpu.memory_space<vmem>>)
          tpu.yield
        }) : () -> ()
      } else {
      }
      %scan3A_98 = arith.constant 0 : i32
      %scan3A_99 = arith.constant 0 : i32
      %scan3A_100 = arith.constant 5 : i32
      %scan3A_101 = arith.addi %scan3A_99, %scan3A_100 : i32
      %scan3A_102 = arith.constant 1 : i32
      scf.for %scan3A_212 = %scan3A_99 to %scan3A_101 step %scan3A_102  : i32 {
        %add3A_213 = arith.constant 0 : i32
        %add3A_214 = vector.broadcast %add3A_213 : i32 to vector<16xi32>
        %add3A_215 = arith.addi %add3A_214, %iota3A : vector<16xi32>
        %add3A_216 = arith.addi %mul3A_89, %scan3A_212 : i32
        %mul3A_217 = arith.constant 0 : i32
        %mul3A_218 = vector.broadcast %mul3A_217 : i32 to vector<16xi32>
        %mul3A_219 = arith.muli %mul3A_218, %iota3A : vector<16xi32>
        %add3A_220 = vector.broadcast %add3A_216 : i32 to vector<16xi32>
        %add3A_221 = arith.addi %add3A_220, %mul3A_219 : vector<16xi32>
        %gather3A = tpu.vector_load_idx %arg5[%add3A_215, %add3A_221] : memref<128x128xf32, #tpu.memory_space<vmem>>[vector<16xi32>, vector<16xi32>], vector<16xf32>,
        %bitcast3A = vector.bitcast %gather3A : vector<16xf32> to vector<16xi32>
        %swap3A = arith.constant 1 : i32
        %swap3A_222 = arith.index_cast %swap3A : i32 to index
        %swap3A_223 = arith.index_cast %scan3A_212 : i32 to index
        %swap3A_224 = arith.constant 0 : index
        %swap3A_225 = tpu.vector_load %arg6[%swap3A_222, %swap3A_223, %swap3A_224] {strides = array<i32>} : memref<2x5x128xi32, #tpu.memory_space<vmem>>, vector<16xi32>,
        tpu.vector_store %arg6[%swap3A_222, %swap3A_223, %swap3A_224], %bitcast3A {strides = array<i32>} : memref<2x5x128xi32, #tpu.memory_space<vmem>>, vector<16xi32>,
        %add3A_226 = arith.constant 16 : i32
        %add3A_227 = vector.broadcast %add3A_226 : i32 to vector<16xi32>
        %add3A_228 = arith.addi %add3A_227, %iota3A : vector<16xi32>
        %add3A_229 = arith.addi %mul3A_89, %scan3A_212 : i32
        %mul3A_230 = arith.constant 0 : i32
        %mul3A_231 = vector.broadcast %mul3A_230 : i32 to vector<16xi32>
        %mul3A_232 = arith.muli %mul3A_231, %iota3A : vector<16xi32>
        %add3A_233 = vector.broadcast %add3A_229 : i32 to vector<16xi32>
        %add3A_234 = arith.addi %add3A_233, %mul3A_232 : vector<16xi32>
        %gather3A_235 = tpu.vector_load_idx %arg5[%add3A_228, %add3A_234] : memref<128x128xf32, #tpu.memory_space<vmem>>[vector<16xi32>, vector<16xi32>], vector<16xf32>,
        %bitcast3A_236 = vector.bitcast %gather3A_235 : vector<16xf32> to vector<16xi32>
        %swap3A_237 = arith.constant 1 : i32
        %swap3A_238 = arith.index_cast %swap3A_237 : i32 to index
        %swap3A_239 = arith.index_cast %scan3A_212 : i32 to index
        %swap3A_240 = arith.constant 16 : index
        %swap3A_241 = tpu.vector_load %arg6[%swap3A_238, %swap3A_239, %swap3A_240] {strides = array<i32>} : memref<2x5x128xi32, #tpu.memory_space<vmem>>, vector<16xi32>,
        tpu.vector_store %arg6[%swap3A_238, %swap3A_239, %swap3A_240], %bitcast3A_236 {strides = array<i32>} : memref<2x5x128xi32, #tpu.memory_space<vmem>>, vector<16xi32>,
        %add3A_242 = arith.constant 32 : i32
        %add3A_243 = vector.broadcast %add3A_242 : i32 to vector<16xi32>
        %add3A_244 = arith.addi %add3A_243, %iota3A : vector<16xi32>
        %add3A_245 = arith.addi %mul3A_89, %scan3A_212 : i32
        %mul3A_246 = arith.constant 0 : i32
        %mul3A_247 = vector.broadcast %mul3A_246 : i32 to vector<16xi32>
        %mul3A_248 = arith.muli %mul3A_247, %iota3A : vector<16xi32>
        %add3A_249 = vector.broadcast %add3A_245 : i32 to vector<16xi32>
        %add3A_250 = arith.addi %add3A_249, %mul3A_248 : vector<16xi32>
        %gather3A_251 = tpu.vector_load_idx %arg5[%add3A_244, %add3A_250] : memref<128x128xf32, #tpu.memory_space<vmem>>[vector<16xi32>, vector<16xi32>], vector<16xf32>,
        %bitcast3A_252 = vector.bitcast %gather3A_251 : vector<16xf32> to vector<16xi32>
        %swap3A_253 = arith.constant 1 : i32
        %swap3A_254 = arith.index_cast %swap3A_253 : i32 to index
        %swap3A_255 = arith.index_cast %scan3A_212 : i32 to index
        %swap3A_256 = arith.constant 32 : index
        %swap3A_257 = tpu.vector_load %arg6[%swap3A_254, %swap3A_255, %swap3A_256] {strides = array<i32>} : memref<2x5x128xi32, #tpu.memory_space<vmem>>, vector<16xi32>,
        tpu.vector_store %arg6[%swap3A_254, %swap3A_255, %swap3A_256], %bitcast3A_252 {strides = array<i32>} : memref<2x5x128xi32, #tpu.memory_space<vmem>>, vector<16xi32>,
        %add3A_258 = arith.constant 48 : i32
        %add3A_259 = vector.broadcast %add3A_258 : i32 to vector<16xi32>
        %add3A_260 = arith.addi %add3A_259, %iota3A : vector<16xi32>
        %add3A_261 = arith.addi %mul3A_89, %scan3A_212 : i32
        %mul3A_262 = arith.constant 0 : i32
        %mul3A_263 = vector.broadcast %mul3A_262 : i32 to vector<16xi32>
        %mul3A_264 = arith.muli %mul3A_263, %iota3A : vector<16xi32>
        %add3A_265 = vector.broadcast %add3A_261 : i32 to vector<16xi32>
        %add3A_266 = arith.addi %add3A_265, %mul3A_264 : vector<16xi32>
        %gather3A_267 = tpu.vector_load_idx %arg5[%add3A_260, %add3A_266] : memref<128x128xf32, #tpu.memory_space<vmem>>[vector<16xi32>, vector<16xi32>], vector<16xf32>,
        %bitcast3A_268 = vector.bitcast %gather3A_267 : vector<16xf32> to vector<16xi32>
        %swap3A_269 = arith.constant 1 : i32
        %swap3A_270 = arith.index_cast %swap3A_269 : i32 to index
        %swap3A_271 = arith.index_cast %scan3A_212 : i32 to index
        %swap3A_272 = arith.constant 48 : index
        %swap3A_273 = tpu.vector_load %arg6[%swap3A_270, %swap3A_271, %swap3A_272] {strides = array<i32>} : memref<2x5x128xi32, #tpu.memory_space<vmem>>, vector<16xi32>,
        tpu.vector_store %arg6[%swap3A_270, %swap3A_271, %swap3A_272], %bitcast3A_268 {strides = array<i32>} : memref<2x5x128xi32, #tpu.memory_space<vmem>>, vector<16xi32>,
        %add3A_274 = arith.constant 64 : i32
        %add3A_275 = vector.broadcast %add3A_274 : i32 to vector<16xi32>
        %add3A_276 = arith.addi %add3A_275, %iota3A : vector<16xi32>
        %add3A_277 = arith.addi %mul3A_89, %scan3A_212 : i32
        %mul3A_278 = arith.constant 0 : i32
        %mul3A_279 = vector.broadcast %mul3A_278 : i32 to vector<16xi32>
        %mul3A_280 = arith.muli %mul3A_279, %iota3A : vector<16xi32>
        %add3A_281 = vector.broadcast %add3A_277 : i32 to vector<16xi32>
        %add3A_282 = arith.addi %add3A_281, %mul3A_280 : vector<16xi32>
        %gather3A_283 = tpu.vector_load_idx %arg5[%add3A_276, %add3A_282] : memref<128x128xf32, #tpu.memory_space<vmem>>[vector<16xi32>, vector<16xi32>], vector<16xf32>,
        %bitcast3A_284 = vector.bitcast %gather3A_283 : vector<16xf32> to vector<16xi32>
        %swap3A_285 = arith.constant 1 : i32
        %swap3A_286 = arith.index_cast %swap3A_285 : i32 to index
        %swap3A_287 = arith.index_cast %scan3A_212 : i32 to index
        %swap3A_288 = arith.constant 64 : index
        %swap3A_289 = tpu.vector_load %arg6[%swap3A_286, %swap3A_287, %swap3A_288] {strides = array<i32>} : memref<2x5x128xi32, #tpu.memory_space<vmem>>, vector<16xi32>,
        tpu.vector_store %arg6[%swap3A_286, %swap3A_287, %swap3A_288], %bitcast3A_284 {strides = array<i32>} : memref<2x5x128xi32, #tpu.memory_space<vmem>>, vector<16xi32>,
        %add3A_290 = arith.constant 80 : i32
        %add3A_291 = vector.broadcast %add3A_290 : i32 to vector<16xi32>
        %add3A_292 = arith.addi %add3A_291, %iota3A : vector<16xi32>
        %add3A_293 = arith.addi %mul3A_89, %scan3A_212 : i32
        %mul3A_294 = arith.constant 0 : i32
        %mul3A_295 = vector.broadcast %mul3A_294 : i32 to vector<16xi32>
        %mul3A_296 = arith.muli %mul3A_295, %iota3A : vector<16xi32>
        %add3A_297 = vector.broadcast %add3A_293 : i32 to vector<16xi32>
        %add3A_298 = arith.addi %add3A_297, %mul3A_296 : vector<16xi32>
        %gather3A_299 = tpu.vector_load_idx %arg5[%add3A_292, %add3A_298] : memref<128x128xf32, #tpu.memory_space<vmem>>[vector<16xi32>, vector<16xi32>], vector<16xf32>,
        %bitcast3A_300 = vector.bitcast %gather3A_299 : vector<16xf32> to vector<16xi32>
        %swap3A_301 = arith.constant 1 : i32
        %swap3A_302 = arith.index_cast %swap3A_301 : i32 to index
        %swap3A_303 = arith.index_cast %scan3A_212 : i32 to index
        %swap3A_304 = arith.constant 80 : index
        %swap3A_305 = tpu.vector_load %arg6[%swap3A_302, %swap3A_303, %swap3A_304] {strides = array<i32>} : memref<2x5x128xi32, #tpu.memory_space<vmem>>, vector<16xi32>,
        tpu.vector_store %arg6[%swap3A_302, %swap3A_303, %swap3A_304], %bitcast3A_300 {strides = array<i32>} : memref<2x5x128xi32, #tpu.memory_space<vmem>>, vector<16xi32>,
        %add3A_306 = arith.constant 96 : i32
        %add3A_307 = vector.broadcast %add3A_306 : i32 to vector<16xi32>
        %add3A_308 = arith.addi %add3A_307, %iota3A : vector<16xi32>
        %add3A_309 = arith.addi %mul3A_89, %scan3A_212 : i32
        %mul3A_310 = arith.constant 0 : i32
        %mul3A_311 = vector.broadcast %mul3A_310 : i32 to vector<16xi32>
        %mul3A_312 = arith.muli %mul3A_311, %iota3A : vector<16xi32>
        %add3A_313 = vector.broadcast %add3A_309 : i32 to vector<16xi32>
        %add3A_314 = arith.addi %add3A_313, %mul3A_312 : vector<16xi32>
        %gather3A_315 = tpu.vector_load_idx %arg5[%add3A_308, %add3A_314] : memref<128x128xf32, #tpu.memory_space<vmem>>[vector<16xi32>, vector<16xi32>], vector<16xf32>,
        %bitcast3A_316 = vector.bitcast %gather3A_315 : vector<16xf32> to vector<16xi32>
        %swap3A_317 = arith.constant 1 : i32
        %swap3A_318 = arith.index_cast %swap3A_317 : i32 to index
        %swap3A_319 = arith.index_cast %scan3A_212 : i32 to index
        %swap3A_320 = arith.constant 96 : index
        %swap3A_321 = tpu.vector_load %arg6[%swap3A_318, %swap3A_319, %swap3A_320] {strides = array<i32>} : memref<2x5x128xi32, #tpu.memory_space<vmem>>, vector<16xi32>,
        tpu.vector_store %arg6[%swap3A_318, %swap3A_319, %swap3A_320], %bitcast3A_316 {strides = array<i32>} : memref<2x5x128xi32, #tpu.memory_space<vmem>>, vector<16xi32>,
        %add3A_322 = arith.constant 112 : i32
        %add3A_323 = vector.broadcast %add3A_322 : i32 to vector<16xi32>
        %add3A_324 = arith.addi %add3A_323, %iota3A : vector<16xi32>
        %add3A_325 = arith.addi %mul3A_89, %scan3A_212 : i32
        %mul3A_326 = arith.constant 0 : i32
        %mul3A_327 = vector.broadcast %mul3A_326 : i32 to vector<16xi32>
        %mul3A_328 = arith.muli %mul3A_327, %iota3A : vector<16xi32>
        %add3A_329 = vector.broadcast %add3A_325 : i32 to vector<16xi32>
        %add3A_330 = arith.addi %add3A_329, %mul3A_328 : vector<16xi32>
        %gather3A_331 = tpu.vector_load_idx %arg5[%add3A_324, %add3A_330] : memref<128x128xf32, #tpu.memory_space<vmem>>[vector<16xi32>, vector<16xi32>], vector<16xf32>,
        %bitcast3A_332 = vector.bitcast %gather3A_331 : vector<16xf32> to vector<16xi32>
        %swap3A_333 = arith.constant 1 : i32
        %swap3A_334 = arith.index_cast %swap3A_333 : i32 to index
        %swap3A_335 = arith.index_cast %scan3A_212 : i32 to index
        %swap3A_336 = arith.constant 112 : index
        %swap3A_337 = tpu.vector_load %arg6[%swap3A_334, %swap3A_335, %swap3A_336] {strides = array<i32>} : memref<2x5x128xi32, #tpu.memory_space<vmem>>, vector<16xi32>,
        tpu.vector_store %arg6[%swap3A_334, %swap3A_335, %swap3A_336], %bitcast3A_332 {strides = array<i32>} : memref<2x5x128xi32, #tpu.memory_space<vmem>>, vector<16xi32>,
      }
      %scan3A_103 = arith.constant 5 : i32
      %scan3A_104 = arith.constant 0 : i32
      %scan3A_105 = arith.constant 0 : i32
      %scan3A_106 = arith.constant 5 : i32
      %scan3A_107 = arith.addi %scan3A_105, %scan3A_106 : i32
      %scan3A_108 = arith.constant 1 : i32
      scf.for %scan3A_212 = %scan3A_105 to %scan3A_107 step %scan3A_108  : i32 {
        %dma_start3A_213 = arith.constant 1 : i32
        %dma_start3A_214 = arith.constant 1 : i32
        %dma_start3A_215 = arith.constant 0 : i32
        %dma_start3A_216 = arith.constant 0 : i32
        %dma_start3A_217 = tpu.memref_slice %arg7[%dma_start3A_214, %scan3A_212, %dma_start3A_215, %dma_start3A_216] : memref<2x5x128x32xf32, #tpu.memory_space<vmem>> -> memref<1x1x128x32xf32, #tpu.memory_space<vmem>>
        %dma_start3A_218 = tpu.memref_squeeze %dma_start3A_217 : memref<1x1x128x32xf32, #tpu.memory_space<vmem>> -> memref<128x32xf32, #tpu.memory_space<vmem>>
        %dma_start3A_219 = arith.constant 0 : i32
        %dma_start3A_220 = tpu.memref_slice %arg6[%dma_start3A_213, %scan3A_212, %dma_start3A_219] : memref<2x5x128xi32, #tpu.memory_space<vmem>> -> memref<1x1x128xi32, #tpu.memory_space<vmem>>
        %dma_start3A_221 = tpu.memref_squeeze %dma_start3A_220 : memref<1x1x128xi32, #tpu.memory_space<vmem>> -> memref<128xi32, #tpu.memory_space<vmem>>
        %dma_start3A_222 = arith.constant 0 : i32
        %dma_start3A_223 = arith.constant 0 : i32
        %dma_start3A_224 = tpu.memref_slice %arg2[%dma_start3A_222, %dma_start3A_223] : memref<1000000x32xf32, #tpu.memory_space<hbm>> -> memref<1000000x32xf32, #tpu.memory_space<hbm>>
        tpu.enqueue_indirect_dma source(%dma_start3A_224 : memref<1000000x32xf32, #tpu.memory_space<hbm>>) target(%dma_start3A_218 : memref<128x32xf32, #tpu.memory_space<vmem>>) offsets(%dma_start3A_221 : memref<128xi32, #tpu.memory_space<vmem>>) semaphore(%arg10 : memref<!tpu.dma_semaphore, #tpu.memory_space<semaphore_mem>>)
      }
      %scan3A_109 = arith.constant 5 : i32
      %scan3A_110 = arith.constant 0 : i32
      %scan3A_111 = arith.constant 0 : i32
      %scan3A_112 = arith.constant 5 : i32
      %scan3A_113 = arith.addi %scan3A_111, %scan3A_112 : i32
      %scan3A_114 = arith.constant 1 : i32
      scf.for %scan3A_212 = %scan3A_111 to %scan3A_113 step %scan3A_114  : i32 {
        %dma_wait3A_213 = arith.constant 0 : i32
        %dma_wait3A_214 = arith.constant 0 : i32
        %dma_wait3A_215 = arith.constant 0 : i32
        %dma_wait3A_216 = arith.constant 0 : i32
        %dma_wait3A_217 = tpu.memref_slice %arg7[%dma_wait3A_213, %dma_wait3A_214, %dma_wait3A_215, %dma_wait3A_216] : memref<2x5x128x32xf32, #tpu.memory_space<vmem>> -> memref<1x1x128x32xf32, #tpu.memory_space<vmem>>
        %dma_wait3A_218 = tpu.memref_squeeze %dma_wait3A_217 : memref<1x1x128x32xf32, #tpu.memory_space<vmem>> -> memref<128x32xf32, #tpu.memory_space<vmem>>
        %dma_wait3A_219 = arith.constant 0 : i32
        %dma_wait3A_220 = arith.constant 0 : i32
        %dma_wait3A_221 = tpu.memref_slice %arg2[%dma_wait3A_219, %dma_wait3A_220] : memref<1000000x32xf32, #tpu.memory_space<hbm>> -> memref<128x32xf32, #tpu.memory_space<hbm>>
        %dma_wait3A_222 = arith.constant 0 : i32
        %dma_wait3A_223 = arith.constant 0 : i32
        %dma_wait3A_224 = tpu.memref_slice %arg7[%dma_wait3A_213, %dma_wait3A_214, %dma_wait3A_222, %dma_wait3A_223] : memref<2x5x128x32xf32, #tpu.memory_space<vmem>> -> memref<1x1x128x32xf32, #tpu.memory_space<vmem>>
        %dma_wait3A_225 = tpu.memref_squeeze %dma_wait3A_224 : memref<1x1x128x32xf32, #tpu.memory_space<vmem>> -> memref<128x32xf32, #tpu.memory_space<vmem>>
        %dma_wait3A_226 = arith.constant 0 : i32
        %dma_wait3A_227 = arith.constant 0 : i32
        %dma_wait3A_228 = tpu.memref_slice %arg2[%dma_wait3A_226, %dma_wait3A_227] : memref<1000000x32xf32, #tpu.memory_space<hbm>> -> memref<128x32xf32, #tpu.memory_space<hbm>>
        tpu.wait_dma2 semaphore(%arg9 : memref<!tpu.dma_semaphore, #tpu.memory_space<semaphore_mem>>) src(%dma_wait3A_228 : memref<128x32xf32, #tpu.memory_space<hbm>>) dst(%dma_wait3A_225 : memref<128x32xf32, #tpu.memory_space<vmem>>)
      }
      %scan3A_115 = arith.constant 5 : i32
      %gt3A = arith.constant 0 : i32
      %gt3A_116 = arith.cmpi sgt, %scan3A_77, %gt3A : i32
      %convert_element_type3A_117 = arith.extui %gt3A_116 : i1 to i32
      %cond3A_118 = arith.constant 0 : i32
      %cond3A_119 = arith.cmpi ne, %convert_element_type3A_117, %cond3A_118 : i32
      scf.if %cond3A_119 {
        %dma_wait3A_212 = arith.constant 0 : i32
        %dma_wait3A_213 = arith.constant 0 : i32
        %dma_wait3A_214 = arith.constant 0 : i32
        %dma_wait3A_215 = arith.constant 0 : i32
        %dma_wait3A_216 = arith.constant 0 : i32
        %dma_wait3A_217 = tpu.memref_slice %arg8[%dma_wait3A_212, %dma_wait3A_214, %dma_wait3A_215, %dma_wait3A_216] : memref<2x5x4x1024xf32, #tpu.memory_space<vmem>> -> memref<1x5x4x1024xf32, #tpu.memory_space<vmem>>
        %dma_wait3A_218 = tpu.memref_squeeze %dma_wait3A_217 : memref<1x5x4x1024xf32, #tpu.memory_space<vmem>> -> memref<5x4x1024xf32, #tpu.memory_space<vmem>>
        %dma_wait3A_219 = arith.constant 0 : i32
        %dma_wait3A_220 = arith.constant 0 : i32
        %dma_wait3A_221 = arith.constant 0 : i32
        %dma_wait3A_222 = tpu.memref_slice %arg4[%dma_wait3A_219, %dma_wait3A_220, %dma_wait3A_213, %dma_wait3A_221] : memref<50x4x128x1024xf32, #tpu.memory_space<hbm>> -> memref<5x4x1x1024xf32, #tpu.memory_space<hbm>>
        %dma_wait3A_223 = tpu.memref_squeeze %dma_wait3A_222 : memref<5x4x1x1024xf32, #tpu.memory_space<hbm>> -> memref<5x4x1024xf32, #tpu.memory_space<hbm>>
        %dma_wait3A_224 = arith.constant 0 : i32
        %dma_wait3A_225 = arith.constant 0 : i32
        %dma_wait3A_226 = arith.constant 0 : i32
        %dma_wait3A_227 = tpu.memref_slice %arg4[%dma_wait3A_224, %dma_wait3A_225, %dma_wait3A_213, %dma_wait3A_226] : memref<50x4x128x1024xf32, #tpu.memory_space<hbm>> -> memref<5x4x1x1024xf32, #tpu.memory_space<hbm>>
        %dma_wait3A_228 = tpu.memref_squeeze %dma_wait3A_227 : memref<5x4x1x1024xf32, #tpu.memory_space<hbm>> -> memref<5x4x1024xf32, #tpu.memory_space<hbm>>
        %dma_wait3A_229 = arith.constant 0 : i32
        %dma_wait3A_230 = arith.constant 0 : i32
        %dma_wait3A_231 = arith.constant 0 : i32
        %dma_wait3A_232 = tpu.memref_slice %arg8[%dma_wait3A_212, %dma_wait3A_229, %dma_wait3A_230, %dma_wait3A_231] : memref<2x5x4x1024xf32, #tpu.memory_space<vmem>> -> memref<1x5x4x1024xf32, #tpu.memory_space<vmem>>
        %dma_wait3A_233 = tpu.memref_squeeze %dma_wait3A_232 : memref<1x5x4x1024xf32, #tpu.memory_space<vmem>> -> memref<5x4x1024xf32, #tpu.memory_space<vmem>>
        tpu.wait_dma2 semaphore(%arg11 : memref<!tpu.dma_semaphore, #tpu.memory_space<semaphore_mem>>) src(%dma_wait3A_233 : memref<5x4x1024xf32, #tpu.memory_space<vmem>>) dst(%dma_wait3A_228 : memref<5x4x1024xf32, #tpu.memory_space<hbm>>)
      } else {
      }
      %scan3A_120 = arith.constant 0 : i32
      %scan3A_121 = arith.constant 0 : i32
      %scan3A_122 = arith.constant 0 : i32
      %scan3A_123 = arith.constant 640 : i32
      %scan3A_124 = arith.addi %scan3A_122, %scan3A_123 : i32
      %scan3A_125 = arith.constant 1 : i32
      scf.for %scan3A_212 = %scan3A_122 to %scan3A_124 step %scan3A_125  : i32 {
        %shift_right_arithmetic3A_213 = arith.constant 7 : i32
        %shift_right_arithmetic3A_214 = arith.shrsi %scan3A_212, %shift_right_arithmetic3A_213 : i32
        %shift_left3A = arith.constant 7 : i32
        %shift_left3A_215 = arith.shli %shift_right_arithmetic3A_214, %shift_left3A : i32
        %sub3A_216 = arith.subi %scan3A_212, %shift_left3A_215 : i32
        %get3A = arith.constant 0 : i32
        %get3A_217 = arith.index_cast %get3A : i32 to index
        %get3A_218 = arith.index_cast %shift_right_arithmetic3A_214 : i32 to index
        %get3A_219 = arith.index_cast %sub3A_216 : i32 to index
        %get3A_220 = arith.constant 0 : index
        %get3A_221 = tpu.vector_load %arg7[%get3A_217, %get3A_218, %get3A_219, %get3A_220] {strides = array<i32>} : memref<2x5x128x32xf32, #tpu.memory_space<vmem>>, vector<16xf32>,
        %get3A_222 = arith.constant 0 : i32
        %get3A_223 = arith.index_cast %get3A_222 : i32 to index
        %get3A_224 = arith.index_cast %shift_right_arithmetic3A_214 : i32 to index
        %get3A_225 = arith.index_cast %sub3A_216 : i32 to index
        %get3A_226 = arith.constant 16 : index
        %get3A_227 = tpu.vector_load %arg7[%get3A_223, %get3A_224, %get3A_225, %get3A_226] {strides = array<i32>} : memref<2x5x128x32xf32, #tpu.memory_space<vmem>>, vector<16xf32>,
        %mul3A_228 = arith.constant 0 : i32
        %mul3A_229 = vector.broadcast %mul3A_228 : i32 to vector<16xi32>
        %mul3A_230 = arith.muli %mul3A_229, %iota3A : vector<16xi32>
        %add3A_231 = vector.broadcast %shift_right_arithmetic3A_214 : i32 to vector<16xi32>
        %add3A_232 = arith.addi %add3A_231, %mul3A_230 : vector<16xi32>
        %add3A_233 = vector.broadcast %sub3A_216 : i32 to vector<16xi32>
        %add3A_234 = arith.addi %mul3A_10, %add3A_233 : vector<16xi32>
        %scatter3A = arith.constant 0 : i32
        %scatter3A_235 = arith.constant 0 : i32
        %scatter3A_236 = arith.constant 0 : i32
        %scatter3A_237 = tpu.memref_slice %arg8[%scan3A_121, %scatter3A, %scatter3A_235, %scatter3A_236] : memref<2x5x4x1024xf32, #tpu.memory_space<vmem>> -> memref<1x5x4x1024xf32, #tpu.memory_space<vmem>>
        %scatter3A_238 = tpu.memref_squeeze %scatter3A_237 : memref<1x5x4x1024xf32, #tpu.memory_space<vmem>> -> memref<5x4x1024xf32, #tpu.memory_space<vmem>>
        tpu.vector_store_idx %scatter3A_238[%add3A_232, %shift_right_arithmetic3A_2, %add3A_234], %get3A_221 : memref<5x4x1024xf32, #tpu.memory_space<vmem>>[vector<16xi32>, vector<16xi32>, vector<16xi32>], vector<16xf32>,
        %scatter3A_239 = arith.constant 0 : i32
        %scatter3A_240 = arith.constant 0 : i32
        %scatter3A_241 = arith.constant 0 : i32
        %scatter3A_242 = tpu.memref_slice %arg8[%scan3A_121, %scatter3A_239, %scatter3A_240, %scatter3A_241] : memref<2x5x4x1024xf32, #tpu.memory_space<vmem>> -> memref<1x5x4x1024xf32, #tpu.memory_space<vmem>>
        %scatter3A_243 = tpu.memref_squeeze %scatter3A_242 : memref<1x5x4x1024xf32, #tpu.memory_space<vmem>> -> memref<5x4x1024xf32, #tpu.memory_space<vmem>>
        tpu.vector_store_idx %scatter3A_243[%add3A_232, %add3A_5, %add3A_234], %get3A_227 : memref<5x4x1024xf32, #tpu.memory_space<vmem>>[vector<16xi32>, vector<16xi32>, vector<16xi32>], vector<16xf32>,
      }
      %scan3A_126 = arith.constant 640 : i32
      %mul3A_127 = arith.constant 13 : i32
      %mul3A_128 = arith.muli %mul3A_79, %mul3A_127 : i32
      %shift_right_arithmetic3A_129 = arith.constant 7 : i32
      %shift_right_arithmetic3A_130 = arith.shrsi %mul3A_128, %shift_right_arithmetic3A_129 : i32
      %mul3A_131 = arith.constant 10 : i32
      %mul3A_132 = arith.muli %shift_right_arithmetic3A_130, %mul3A_131 : i32
      %sub3A_133 = arith.subi %mul3A_79, %mul3A_132 : i32
      %mul3A_134 = arith.constant 5 : i32
      %mul3A_135 = arith.muli %sub3A_133, %mul3A_134 : i32
      %mul3A_136 = arith.constant 4 : i32
      %mul3A_137 = arith.muli %add3A, %mul3A_136 : i32
      %add3A_138 = arith.addi %mul3A_137, %shift_right_arithmetic3A_130 : i32
      %dma_start3A = arith.constant 0 : i32
      %dma_start3A_139 = arith.constant 0 : i32
      %dma_start3A_140 = arith.constant 0 : i32
      %dma_start3A_141 = arith.constant 0 : i32
      %dma_start3A_142 = tpu.memref_slice %arg8[%dma_start3A, %dma_start3A_139, %dma_start3A_140, %dma_start3A_141] : memref<2x5x4x1024xf32, #tpu.memory_space<vmem>> -> memref<1x5x4x1024xf32, #tpu.memory_space<vmem>>
      %dma_start3A_143 = tpu.memref_squeeze %dma_start3A_142 : memref<1x5x4x1024xf32, #tpu.memory_space<vmem>> -> memref<5x4x1024xf32, #tpu.memory_space<vmem>>
      %dma_start3A_144 = arith.constant 0 : i32
      %dma_start3A_145 = arith.constant 0 : i32
      %dma_start3A_146 = tpu.memref_slice %arg4[%mul3A_135, %dma_start3A_144, %add3A_138, %dma_start3A_145] : memref<50x4x128x1024xf32, #tpu.memory_space<hbm>> -> memref<5x4x1x1024xf32, #tpu.memory_space<hbm>>
      %dma_start3A_147 = tpu.memref_squeeze %dma_start3A_146 : memref<5x4x1x1024xf32, #tpu.memory_space<hbm>> -> memref<5x4x1024xf32, #tpu.memory_space<hbm>>
      %dma_start3A_148 = arith.constant 0 : i32
      %dma_start3A_149 = arith.constant 0 : i32
      %dma_start3A_150 = tpu.memref_slice %arg4[%mul3A_135, %dma_start3A_148, %add3A_138, %dma_start3A_149] : memref<50x4x128x1024xf32, #tpu.memory_space<hbm>> -> memref<5x4x1x1024xf32, #tpu.memory_space<hbm>>
      %dma_start3A_151 = tpu.memref_squeeze %dma_start3A_150 : memref<5x4x1x1024xf32, #tpu.memory_space<hbm>> -> memref<5x4x1024xf32, #tpu.memory_space<hbm>>
      %dma_start3A_152 = arith.constant 0 : i32
      %dma_start3A_153 = arith.constant 0 : i32
      %dma_start3A_154 = arith.constant 0 : i32
      %dma_start3A_155 = tpu.memref_slice %arg8[%dma_start3A, %dma_start3A_152, %dma_start3A_153, %dma_start3A_154] : memref<2x5x4x1024xf32, #tpu.memory_space<vmem>> -> memref<1x5x4x1024xf32, #tpu.memory_space<vmem>>
      %dma_start3A_156 = tpu.memref_squeeze %dma_start3A_155 : memref<1x5x4x1024xf32, #tpu.memory_space<vmem>> -> memref<5x4x1024xf32, #tpu.memory_space<vmem>>
      tpu.enqueue_dma source(%dma_start3A_156 : memref<5x4x1024xf32, #tpu.memory_space<vmem>>) target(%dma_start3A_151 : memref<5x4x1024xf32, #tpu.memory_space<hbm>>) target_semaphore(%arg11 : memref<!tpu.dma_semaphore, #tpu.memory_space<semaphore_mem>>)
      %add3A_157 = arith.constant 2 : i32
      %add3A_158 = arith.addi %mul3A_79, %add3A_157 : i32
      %lt3A = arith.constant 40 : i32
      %lt3A_159 = arith.cmpi slt, %add3A_158, %lt3A : i32
      %convert_element_type3A_160 = arith.extui %lt3A_159 : i1 to i32
      %cond3A_161 = arith.constant 0 : i32
      %cond3A_162 = arith.cmpi ne, %convert_element_type3A_160, %cond3A_161 : i32
      scf.if %cond3A_162 {
        %add3A_212 = arith.constant 2 : i32
        %add3A_213 = arith.addi %mul3A_79, %add3A_212 : i32
        %mul3A_214 = arith.constant 13 : i32
        %mul3A_215 = arith.muli %add3A_213, %mul3A_214 : i32
        %shift_right_arithmetic3A_216 = arith.constant 7 : i32
        %shift_right_arithmetic3A_217 = arith.shrsi %mul3A_215, %shift_right_arithmetic3A_216 : i32
        %mul3A_218 = arith.constant 10 : i32
        %mul3A_219 = arith.muli %shift_right_arithmetic3A_217, %mul3A_218 : i32
        %sub3A_220 = arith.subi %add3A_213, %mul3A_219 : i32
        %mul3A_221 = arith.constant 5 : i32
        %mul3A_222 = arith.muli %sub3A_220, %mul3A_221 : i32
        %mul3A_223 = arith.constant 4 : i32
        %mul3A_224 = arith.muli %add3A, %mul3A_223 : i32
        %add3A_225 = arith.addi %mul3A_224, %shift_right_arithmetic3A_217 : i32
        %mul3A_226 = arith.constant 128 : i32
        %mul3A_227 = arith.muli %add3A_225, %mul3A_226 : i32
        %multiple_of3A_228 = tpu.assume_multiple %mul3A_227, 128 : i32
        %eq3A_229 = arith.constant 0 : i32
        %eq3A_230 = arith.cmpi eq, %mul3A_222, %eq3A_229 : i32
        %convert_element_type3A_231 = arith.extui %eq3A_230 : i1 to i32
        %cond3A_232 = arith.constant 0 : i32
        %cond3A_233 = arith.cmpi ne, %convert_element_type3A_231, %cond3A_232 : i32
        scf.if %cond3A_233 {
          "tpu.region"() ({
            %run_scoped3A = tpu.sem_alloc : memref<!tpu.dma_semaphore, #tpu.memory_space<semaphore_mem>>
            %dma_start3A_246 = arith.constant 0 : i32
            %dma_start3A_247 = tpu.memref_slice %arg3[%multiple_of3A_228, %dma_start3A_246] : memref<16384x128xf32, #tpu.memory_space<hbm>> -> memref<128x128xf32, #tpu.memory_space<hbm>>
            %dma_start3A_248 = arith.constant 0 : i32
            %dma_start3A_249 = tpu.memref_slice %arg3[%multiple_of3A_228, %dma_start3A_248] : memref<16384x128xf32, #tpu.memory_space<hbm>> -> memref<128x128xf32, #tpu.memory_space<hbm>>
            tpu.enqueue_dma source(%dma_start3A_249 : memref<128x128xf32, #tpu.memory_space<hbm>>) target(%arg5 : memref<128x128xf32, #tpu.memory_space<vmem>>) target_semaphore(%run_scoped3A : memref<!tpu.dma_semaphore, #tpu.memory_space<semaphore_mem>>)
            %dma_wait3A_250 = arith.constant 0 : i32
            %dma_wait3A_251 = tpu.memref_slice %arg3[%multiple_of3A_228, %dma_wait3A_250] : memref<16384x128xf32, #tpu.memory_space<hbm>> -> memref<128x128xf32, #tpu.memory_space<hbm>>
            %dma_wait3A_252 = arith.constant 0 : i32
            %dma_wait3A_253 = tpu.memref_slice %arg3[%multiple_of3A_228, %dma_wait3A_252] : memref<16384x128xf32, #tpu.memory_space<hbm>> -> memref<128x128xf32, #tpu.memory_space<hbm>>
            tpu.wait_dma2 semaphore(%run_scoped3A : memref<!tpu.dma_semaphore, #tpu.memory_space<semaphore_mem>>) src(%dma_wait3A_253 : memref<128x128xf32, #tpu.memory_space<hbm>>) dst(%arg5 : memref<128x128xf32, #tpu.memory_space<vmem>>)
            tpu.yield
          }) : () -> ()
        } else {
        }
        %scan3A_234 = arith.constant 0 : i32
        %scan3A_235 = arith.constant 0 : i32
        %scan3A_236 = arith.constant 5 : i32
        %scan3A_237 = arith.addi %scan3A_235, %scan3A_236 : i32
        %scan3A_238 = arith.constant 1 : i32
        scf.for %scan3A_246 = %scan3A_235 to %scan3A_237 step %scan3A_238  : i32 {
          %add3A_247 = arith.constant 0 : i32
          %add3A_248 = vector.broadcast %add3A_247 : i32 to vector<16xi32>
          %add3A_249 = arith.addi %add3A_248, %iota3A : vector<16xi32>
          %add3A_250 = arith.addi %mul3A_222, %scan3A_246 : i32
          %mul3A_251 = arith.constant 0 : i32
          %mul3A_252 = vector.broadcast %mul3A_251 : i32 to vector<16xi32>
          %mul3A_253 = arith.muli %mul3A_252, %iota3A : vector<16xi32>
          %add3A_254 = vector.broadcast %add3A_250 : i32 to vector<16xi32>
          %add3A_255 = arith.addi %add3A_254, %mul3A_253 : vector<16xi32>
          %gather3A = tpu.vector_load_idx %arg5[%add3A_249, %add3A_255] : memref<128x128xf32, #tpu.memory_space<vmem>>[vector<16xi32>, vector<16xi32>], vector<16xf32>,
          %bitcast3A = vector.bitcast %gather3A : vector<16xf32> to vector<16xi32>
          %swap3A = arith.constant 0 : i32
          %swap3A_256 = arith.index_cast %swap3A : i32 to index
          %swap3A_257 = arith.index_cast %scan3A_246 : i32 to index
          %swap3A_258 = arith.constant 0 : index
          %swap3A_259 = tpu.vector_load %arg6[%swap3A_256, %swap3A_257, %swap3A_258] {strides = array<i32>} : memref<2x5x128xi32, #tpu.memory_space<vmem>>, vector<16xi32>,
          tpu.vector_store %arg6[%swap3A_256, %swap3A_257, %swap3A_258], %bitcast3A {strides = array<i32>} : memref<2x5x128xi32, #tpu.memory_space<vmem>>, vector<16xi32>,
          %add3A_260 = arith.constant 16 : i32
          %add3A_261 = vector.broadcast %add3A_260 : i32 to vector<16xi32>
          %add3A_262 = arith.addi %add3A_261, %iota3A : vector<16xi32>
          %add3A_263 = arith.addi %mul3A_222, %scan3A_246 : i32
          %mul3A_264 = arith.constant 0 : i32
          %mul3A_265 = vector.broadcast %mul3A_264 : i32 to vector<16xi32>
          %mul3A_266 = arith.muli %mul3A_265, %iota3A : vector<16xi32>
          %add3A_267 = vector.broadcast %add3A_263 : i32 to vector<16xi32>
          %add3A_268 = arith.addi %add3A_267, %mul3A_266 : vector<16xi32>
          %gather3A_269 = tpu.vector_load_idx %arg5[%add3A_262, %add3A_268] : memref<128x128xf32, #tpu.memory_space<vmem>>[vector<16xi32>, vector<16xi32>], vector<16xf32>,
          %bitcast3A_270 = vector.bitcast %gather3A_269 : vector<16xf32> to vector<16xi32>
          %swap3A_271 = arith.constant 0 : i32
          %swap3A_272 = arith.index_cast %swap3A_271 : i32 to index
          %swap3A_273 = arith.index_cast %scan3A_246 : i32 to index
          %swap3A_274 = arith.constant 16 : index
          %swap3A_275 = tpu.vector_load %arg6[%swap3A_272, %swap3A_273, %swap3A_274] {strides = array<i32>} : memref<2x5x128xi32, #tpu.memory_space<vmem>>, vector<16xi32>,
          tpu.vector_store %arg6[%swap3A_272, %swap3A_273, %swap3A_274], %bitcast3A_270 {strides = array<i32>} : memref<2x5x128xi32, #tpu.memory_space<vmem>>, vector<16xi32>,
          %add3A_276 = arith.constant 32 : i32
          %add3A_277 = vector.broadcast %add3A_276 : i32 to vector<16xi32>
          %add3A_278 = arith.addi %add3A_277, %iota3A : vector<16xi32>
          %add3A_279 = arith.addi %mul3A_222, %scan3A_246 : i32
          %mul3A_280 = arith.constant 0 : i32
          %mul3A_281 = vector.broadcast %mul3A_280 : i32 to vector<16xi32>
          %mul3A_282 = arith.muli %mul3A_281, %iota3A : vector<16xi32>
          %add3A_283 = vector.broadcast %add3A_279 : i32 to vector<16xi32>
          %add3A_284 = arith.addi %add3A_283, %mul3A_282 : vector<16xi32>
          %gather3A_285 = tpu.vector_load_idx %arg5[%add3A_278, %add3A_284] : memref<128x128xf32, #tpu.memory_space<vmem>>[vector<16xi32>, vector<16xi32>], vector<16xf32>,
          %bitcast3A_286 = vector.bitcast %gather3A_285 : vector<16xf32> to vector<16xi32>
          %swap3A_287 = arith.constant 0 : i32
          %swap3A_288 = arith.index_cast %swap3A_287 : i32 to index
          %swap3A_289 = arith.index_cast %scan3A_246 : i32 to index
          %swap3A_290 = arith.constant 32 : index
          %swap3A_291 = tpu.vector_load %arg6[%swap3A_288, %swap3A_289, %swap3A_290] {strides = array<i32>} : memref<2x5x128xi32, #tpu.memory_space<vmem>>, vector<16xi32>,
          tpu.vector_store %arg6[%swap3A_288, %swap3A_289, %swap3A_290], %bitcast3A_286 {strides = array<i32>} : memref<2x5x128xi32, #tpu.memory_space<vmem>>, vector<16xi32>,
          %add3A_292 = arith.constant 48 : i32
          %add3A_293 = vector.broadcast %add3A_292 : i32 to vector<16xi32>
          %add3A_294 = arith.addi %add3A_293, %iota3A : vector<16xi32>
          %add3A_295 = arith.addi %mul3A_222, %scan3A_246 : i32
          %mul3A_296 = arith.constant 0 : i32
          %mul3A_297 = vector.broadcast %mul3A_296 : i32 to vector<16xi32>
          %mul3A_298 = arith.muli %mul3A_297, %iota3A : vector<16xi32>
          %add3A_299 = vector.broadcast %add3A_295 : i32 to vector<16xi32>
          %add3A_300 = arith.addi %add3A_299, %mul3A_298 : vector<16xi32>
          %gather3A_301 = tpu.vector_load_idx %arg5[%add3A_294, %add3A_300] : memref<128x128xf32, #tpu.memory_space<vmem>>[vector<16xi32>, vector<16xi32>], vector<16xf32>,
          %bitcast3A_302 = vector.bitcast %gather3A_301 : vector<16xf32> to vector<16xi32>
          %swap3A_303 = arith.constant 0 : i32
          %swap3A_304 = arith.index_cast %swap3A_303 : i32 to index
          %swap3A_305 = arith.index_cast %scan3A_246 : i32 to index
          %swap3A_306 = arith.constant 48 : index
          %swap3A_307 = tpu.vector_load %arg6[%swap3A_304, %swap3A_305, %swap3A_306] {strides = array<i32>} : memref<2x5x128xi32, #tpu.memory_space<vmem>>, vector<16xi32>,
          tpu.vector_store %arg6[%swap3A_304, %swap3A_305, %swap3A_306], %bitcast3A_302 {strides = array<i32>} : memref<2x5x128xi32, #tpu.memory_space<vmem>>, vector<16xi32>,
          %add3A_308 = arith.constant 64 : i32
          %add3A_309 = vector.broadcast %add3A_308 : i32 to vector<16xi32>
          %add3A_310 = arith.addi %add3A_309, %iota3A : vector<16xi32>
          %add3A_311 = arith.addi %mul3A_222, %scan3A_246 : i32
          %mul3A_312 = arith.constant 0 : i32
          %mul3A_313 = vector.broadcast %mul3A_312 : i32 to vector<16xi32>
          %mul3A_314 = arith.muli %mul3A_313, %iota3A : vector<16xi32>
          %add3A_315 = vector.broadcast %add3A_311 : i32 to vector<16xi32>
          %add3A_316 = arith.addi %add3A_315, %mul3A_314 : vector<16xi32>
          %gather3A_317 = tpu.vector_load_idx %arg5[%add3A_310, %add3A_316] : memref<128x128xf32, #tpu.memory_space<vmem>>[vector<16xi32>, vector<16xi32>], vector<16xf32>,
          %bitcast3A_318 = vector.bitcast %gather3A_317 : vector<16xf32> to vector<16xi32>
          %swap3A_319 = arith.constant 0 : i32
          %swap3A_320 = arith.index_cast %swap3A_319 : i32 to index
          %swap3A_321 = arith.index_cast %scan3A_246 : i32 to index
          %swap3A_322 = arith.constant 64 : index
          %swap3A_323 = tpu.vector_load %arg6[%swap3A_320, %swap3A_321, %swap3A_322] {strides = array<i32>} : memref<2x5x128xi32, #tpu.memory_space<vmem>>, vector<16xi32>,
          tpu.vector_store %arg6[%swap3A_320, %swap3A_321, %swap3A_322], %bitcast3A_318 {strides = array<i32>} : memref<2x5x128xi32, #tpu.memory_space<vmem>>, vector<16xi32>,
          %add3A_324 = arith.constant 80 : i32
          %add3A_325 = vector.broadcast %add3A_324 : i32 to vector<16xi32>
          %add3A_326 = arith.addi %add3A_325, %iota3A : vector<16xi32>
          %add3A_327 = arith.addi %mul3A_222, %scan3A_246 : i32
          %mul3A_328 = arith.constant 0 : i32
          %mul3A_329 = vector.broadcast %mul3A_328 : i32 to vector<16xi32>
          %mul3A_330 = arith.muli %mul3A_329, %iota3A : vector<16xi32>
          %add3A_331 = vector.broadcast %add3A_327 : i32 to vector<16xi32>
          %add3A_332 = arith.addi %add3A_331, %mul3A_330 : vector<16xi32>
          %gather3A_333 = tpu.vector_load_idx %arg5[%add3A_326, %add3A_332] : memref<128x128xf32, #tpu.memory_space<vmem>>[vector<16xi32>, vector<16xi32>], vector<16xf32>,
          %bitcast3A_334 = vector.bitcast %gather3A_333 : vector<16xf32> to vector<16xi32>
          %swap3A_335 = arith.constant 0 : i32
          %swap3A_336 = arith.index_cast %swap3A_335 : i32 to index
          %swap3A_337 = arith.index_cast %scan3A_246 : i32 to index
          %swap3A_338 = arith.constant 80 : index
          %swap3A_339 = tpu.vector_load %arg6[%swap3A_336, %swap3A_337, %swap3A_338] {strides = array<i32>} : memref<2x5x128xi32, #tpu.memory_space<vmem>>, vector<16xi32>,
          tpu.vector_store %arg6[%swap3A_336, %swap3A_337, %swap3A_338], %bitcast3A_334 {strides = array<i32>} : memref<2x5x128xi32, #tpu.memory_space<vmem>>, vector<16xi32>,
          %add3A_340 = arith.constant 96 : i32
          %add3A_341 = vector.broadcast %add3A_340 : i32 to vector<16xi32>
          %add3A_342 = arith.addi %add3A_341, %iota3A : vector<16xi32>
          %add3A_343 = arith.addi %mul3A_222, %scan3A_246 : i32
          %mul3A_344 = arith.constant 0 : i32
          %mul3A_345 = vector.broadcast %mul3A_344 : i32 to vector<16xi32>
          %mul3A_346 = arith.muli %mul3A_345, %iota3A : vector<16xi32>
          %add3A_347 = vector.broadcast %add3A_343 : i32 to vector<16xi32>
          %add3A_348 = arith.addi %add3A_347, %mul3A_346 : vector<16xi32>
          %gather3A_349 = tpu.vector_load_idx %arg5[%add3A_342, %add3A_348] : memref<128x128xf32, #tpu.memory_space<vmem>>[vector<16xi32>, vector<16xi32>], vector<16xf32>,
          %bitcast3A_350 = vector.bitcast %gather3A_349 : vector<16xf32> to vector<16xi32>
          %swap3A_351 = arith.constant 0 : i32
          %swap3A_352 = arith.index_cast %swap3A_351 : i32 to index
          %swap3A_353 = arith.index_cast %scan3A_246 : i32 to index
          %swap3A_354 = arith.constant 96 : index
          %swap3A_355 = tpu.vector_load %arg6[%swap3A_352, %swap3A_353, %swap3A_354] {strides = array<i32>} : memref<2x5x128xi32, #tpu.memory_space<vmem>>, vector<16xi32>,
          tpu.vector_store %arg6[%swap3A_352, %swap3A_353, %swap3A_354], %bitcast3A_350 {strides = array<i32>} : memref<2x5x128xi32, #tpu.memory_space<vmem>>, vector<16xi32>,
          %add3A_356 = arith.constant 112 : i32
          %add3A_357 = vector.broadcast %add3A_356 : i32 to vector<16xi32>
          %add3A_358 = arith.addi %add3A_357, %iota3A : vector<16xi32>
          %add3A_359 = arith.addi %mul3A_222, %scan3A_246 : i32
          %mul3A_360 = arith.constant 0 : i32
          %mul3A_361 = vector.broadcast %mul3A_360 : i32 to vector<16xi32>
          %mul3A_362 = arith.muli %mul3A_361, %iota3A : vector<16xi32>
          %add3A_363 = vector.broadcast %add3A_359 : i32 to vector<16xi32>
          %add3A_364 = arith.addi %add3A_363, %mul3A_362 : vector<16xi32>
          %gather3A_365 = tpu.vector_load_idx %arg5[%add3A_358, %add3A_364] : memref<128x128xf32, #tpu.memory_space<vmem>>[vector<16xi32>, vector<16xi32>], vector<16xf32>,
          %bitcast3A_366 = vector.bitcast %gather3A_365 : vector<16xf32> to vector<16xi32>
          %swap3A_367 = arith.constant 0 : i32
          %swap3A_368 = arith.index_cast %swap3A_367 : i32 to index
          %swap3A_369 = arith.index_cast %scan3A_246 : i32 to index
          %swap3A_370 = arith.constant 112 : index
          %swap3A_371 = tpu.vector_load %arg6[%swap3A_368, %swap3A_369, %swap3A_370] {strides = array<i32>} : memref<2x5x128xi32, #tpu.memory_space<vmem>>, vector<16xi32>,
          tpu.vector_store %arg6[%swap3A_368, %swap3A_369, %swap3A_370], %bitcast3A_366 {strides = array<i32>} : memref<2x5x128xi32, #tpu.memory_space<vmem>>, vector<16xi32>,
        }
        %scan3A_239 = arith.constant 5 : i32
        %scan3A_240 = arith.constant 0 : i32
        %scan3A_241 = arith.constant 0 : i32
        %scan3A_242 = arith.constant 5 : i32
        %scan3A_243 = arith.addi %scan3A_241, %scan3A_242 : i32
        %scan3A_244 = arith.constant 1 : i32
        scf.for %scan3A_246 = %scan3A_241 to %scan3A_243 step %scan3A_244  : i32 {
          %dma_start3A_247 = arith.constant 0 : i32
          %dma_start3A_248 = arith.constant 0 : i32
          %dma_start3A_249 = arith.constant 0 : i32
          %dma_start3A_250 = arith.constant 0 : i32
          %dma_start3A_251 = tpu.memref_slice %arg7[%dma_start3A_248, %scan3A_246, %dma_start3A_249, %dma_start3A_250] : memref<2x5x128x32xf32, #tpu.memory_space<vmem>> -> memref<1x1x128x32xf32, #tpu.memory_space<vmem>>
          %dma_start3A_252 = tpu.memref_squeeze %dma_start3A_251 : memref<1x1x128x32xf32, #tpu.memory_space<vmem>> -> memref<128x32xf32, #tpu.memory_space<vmem>>
          %dma_start3A_253 = arith.constant 0 : i32
          %dma_start3A_254 = tpu.memref_slice %arg6[%dma_start3A_247, %scan3A_246, %dma_start3A_253] : memref<2x5x128xi32, #tpu.memory_space<vmem>> -> memref<1x1x128xi32, #tpu.memory_space<vmem>>
          %dma_start3A_255 = tpu.memref_squeeze %dma_start3A_254 : memref<1x1x128xi32, #tpu.memory_space<vmem>> -> memref<128xi32, #tpu.memory_space<vmem>>
          %dma_start3A_256 = arith.constant 0 : i32
          %dma_start3A_257 = arith.constant 0 : i32
          %dma_start3A_258 = tpu.memref_slice %arg2[%dma_start3A_256, %dma_start3A_257] : memref<1000000x32xf32, #tpu.memory_space<hbm>> -> memref<1000000x32xf32, #tpu.memory_space<hbm>>
          tpu.enqueue_indirect_dma source(%dma_start3A_258 : memref<1000000x32xf32, #tpu.memory_space<hbm>>) target(%dma_start3A_252 : memref<128x32xf32, #tpu.memory_space<vmem>>) offsets(%dma_start3A_255 : memref<128xi32, #tpu.memory_space<vmem>>) semaphore(%arg9 : memref<!tpu.dma_semaphore, #tpu.memory_space<semaphore_mem>>)
        }
        %scan3A_245 = arith.constant 5 : i32
      } else {
      }
      %scan3A_163 = arith.constant 0 : i32
      %scan3A_164 = arith.constant 0 : i32
      %scan3A_165 = arith.constant 5 : i32
      %scan3A_166 = arith.addi %scan3A_164, %scan3A_165 : i32
      %scan3A_167 = arith.constant 1 : i32
      scf.for %scan3A_212 = %scan3A_164 to %scan3A_166 step %scan3A_167  : i32 {
        %dma_wait3A_213 = arith.constant 0 : i32
        %dma_wait3A_214 = arith.constant 0 : i32
        %dma_wait3A_215 = arith.constant 0 : i32
        %dma_wait3A_216 = arith.constant 0 : i32
        %dma_wait3A_217 = tpu.memref_slice %arg7[%dma_wait3A_213, %dma_wait3A_214, %dma_wait3A_215, %dma_wait3A_216] : memref<2x5x128x32xf32, #tpu.memory_space<vmem>> -> memref<1x1x128x32xf32, #tpu.memory_space<vmem>>
        %dma_wait3A_218 = tpu.memref_squeeze %dma_wait3A_217 : memref<1x1x128x32xf32, #tpu.memory_space<vmem>> -> memref<128x32xf32, #tpu.memory_space<vmem>>
        %dma_wait3A_219 = arith.constant 0 : i32
        %dma_wait3A_220 = arith.constant 0 : i32
        %dma_wait3A_221 = tpu.memref_slice %arg2[%dma_wait3A_219, %dma_wait3A_220] : memref<1000000x32xf32, #tpu.memory_space<hbm>> -> memref<128x32xf32, #tpu.memory_space<hbm>>
        %dma_wait3A_222 = arith.constant 0 : i32
        %dma_wait3A_223 = arith.constant 0 : i32
        %dma_wait3A_224 = tpu.memref_slice %arg7[%dma_wait3A_213, %dma_wait3A_214, %dma_wait3A_222, %dma_wait3A_223] : memref<2x5x128x32xf32, #tpu.memory_space<vmem>> -> memref<1x1x128x32xf32, #tpu.memory_space<vmem>>
        %dma_wait3A_225 = tpu.memref_squeeze %dma_wait3A_224 : memref<1x1x128x32xf32, #tpu.memory_space<vmem>> -> memref<128x32xf32, #tpu.memory_space<vmem>>
        %dma_wait3A_226 = arith.constant 0 : i32
        %dma_wait3A_227 = arith.constant 0 : i32
        %dma_wait3A_228 = tpu.memref_slice %arg2[%dma_wait3A_226, %dma_wait3A_227] : memref<1000000x32xf32, #tpu.memory_space<hbm>> -> memref<128x32xf32, #tpu.memory_space<hbm>>
        tpu.wait_dma2 semaphore(%arg10 : memref<!tpu.dma_semaphore, #tpu.memory_space<semaphore_mem>>) src(%dma_wait3A_228 : memref<128x32xf32, #tpu.memory_space<hbm>>) dst(%dma_wait3A_225 : memref<128x32xf32, #tpu.memory_space<vmem>>)
      }
      %scan3A_168 = arith.constant 5 : i32
      %gt3A_169 = arith.constant 0 : i32
      %gt3A_170 = arith.cmpi sgt, %scan3A_77, %gt3A_169 : i32
      %convert_element_type3A_171 = arith.extui %gt3A_170 : i1 to i32
      %cond3A_172 = arith.constant 0 : i32
      %cond3A_173 = arith.cmpi ne, %convert_element_type3A_171, %cond3A_172 : i32
      scf.if %cond3A_173 {
        %dma_wait3A_212 = arith.constant 1 : i32
        %dma_wait3A_213 = arith.constant 0 : i32
        %dma_wait3A_214 = arith.constant 0 : i32
        %dma_wait3A_215 = arith.constant 0 : i32
        %dma_wait3A_216 = arith.constant 0 : i32
        %dma_wait3A_217 = tpu.memref_slice %arg8[%dma_wait3A_212, %dma_wait3A_214, %dma_wait3A_215, %dma_wait3A_216] : memref<2x5x4x1024xf32, #tpu.memory_space<vmem>> -> memref<1x5x4x1024xf32, #tpu.memory_space<vmem>>
        %dma_wait3A_218 = tpu.memref_squeeze %dma_wait3A_217 : memref<1x5x4x1024xf32, #tpu.memory_space<vmem>> -> memref<5x4x1024xf32, #tpu.memory_space<vmem>>
        %dma_wait3A_219 = arith.constant 0 : i32
        %dma_wait3A_220 = arith.constant 0 : i32
        %dma_wait3A_221 = arith.constant 0 : i32
        %dma_wait3A_222 = tpu.memref_slice %arg4[%dma_wait3A_219, %dma_wait3A_220, %dma_wait3A_213, %dma_wait3A_221] : memref<50x4x128x1024xf32, #tpu.memory_space<hbm>> -> memref<5x4x1x1024xf32, #tpu.memory_space<hbm>>
        %dma_wait3A_223 = tpu.memref_squeeze %dma_wait3A_222 : memref<5x4x1x1024xf32, #tpu.memory_space<hbm>> -> memref<5x4x1024xf32, #tpu.memory_space<hbm>>
        %dma_wait3A_224 = arith.constant 0 : i32
        %dma_wait3A_225 = arith.constant 0 : i32
        %dma_wait3A_226 = arith.constant 0 : i32
        %dma_wait3A_227 = tpu.memref_slice %arg4[%dma_wait3A_224, %dma_wait3A_225, %dma_wait3A_213, %dma_wait3A_226] : memref<50x4x128x1024xf32, #tpu.memory_space<hbm>> -> memref<5x4x1x1024xf32, #tpu.memory_space<hbm>>
        %dma_wait3A_228 = tpu.memref_squeeze %dma_wait3A_227 : memref<5x4x1x1024xf32, #tpu.memory_space<hbm>> -> memref<5x4x1024xf32, #tpu.memory_space<hbm>>
        %dma_wait3A_229 = arith.constant 0 : i32
        %dma_wait3A_230 = arith.constant 0 : i32
        %dma_wait3A_231 = arith.constant 0 : i32
        %dma_wait3A_232 = tpu.memref_slice %arg8[%dma_wait3A_212, %dma_wait3A_229, %dma_wait3A_230, %dma_wait3A_231] : memref<2x5x4x1024xf32, #tpu.memory_space<vmem>> -> memref<1x5x4x1024xf32, #tpu.memory_space<vmem>>
        %dma_wait3A_233 = tpu.memref_squeeze %dma_wait3A_232 : memref<1x5x4x1024xf32, #tpu.memory_space<vmem>> -> memref<5x4x1024xf32, #tpu.memory_space<vmem>>
        tpu.wait_dma2 semaphore(%arg12 : memref<!tpu.dma_semaphore, #tpu.memory_space<semaphore_mem>>) src(%dma_wait3A_233 : memref<5x4x1024xf32, #tpu.memory_space<vmem>>) dst(%dma_wait3A_228 : memref<5x4x1024xf32, #tpu.memory_space<hbm>>)
      } else {
      }
      %scan3A_174 = arith.constant 0 : i32
      %scan3A_175 = arith.constant 1 : i32
      %scan3A_176 = arith.constant 0 : i32
      %scan3A_177 = arith.constant 640 : i32
      %scan3A_178 = arith.addi %scan3A_176, %scan3A_177 : i32
      %scan3A_179 = arith.constant 1 : i32
      scf.for %scan3A_212 = %scan3A_176 to %scan3A_178 step %scan3A_179  : i32 {
        %shift_right_arithmetic3A_213 = arith.constant 7 : i32
        %shift_right_arithmetic3A_214 = arith.shrsi %scan3A_212, %shift_right_arithmetic3A_213 : i32
        %shift_left3A = arith.constant 7 : i32
        %shift_left3A_215 = arith.shli %shift_right_arithmetic3A_214, %shift_left3A : i32
        %sub3A_216 = arith.subi %scan3A_212, %shift_left3A_215 : i32
        %get3A = arith.constant 1 : i32
        %get3A_217 = arith.index_cast %get3A : i32 to index
        %get3A_218 = arith.index_cast %shift_right_arithmetic3A_214 : i32 to index
        %get3A_219 = arith.index_cast %sub3A_216 : i32 to index
        %get3A_220 = arith.constant 0 : index
        %get3A_221 = tpu.vector_load %arg7[%get3A_217, %get3A_218, %get3A_219, %get3A_220] {strides = array<i32>} : memref<2x5x128x32xf32, #tpu.memory_space<vmem>>, vector<16xf32>,
        %get3A_222 = arith.constant 1 : i32
        %get3A_223 = arith.index_cast %get3A_222 : i32 to index
        %get3A_224 = arith.index_cast %shift_right_arithmetic3A_214 : i32 to index
        %get3A_225 = arith.index_cast %sub3A_216 : i32 to index
        %get3A_226 = arith.constant 16 : index
        %get3A_227 = tpu.vector_load %arg7[%get3A_223, %get3A_224, %get3A_225, %get3A_226] {strides = array<i32>} : memref<2x5x128x32xf32, #tpu.memory_space<vmem>>, vector<16xf32>,
        %mul3A_228 = arith.constant 0 : i32
        %mul3A_229 = vector.broadcast %mul3A_228 : i32 to vector<16xi32>
        %mul3A_230 = arith.muli %mul3A_229, %iota3A : vector<16xi32>
        %add3A_231 = vector.broadcast %shift_right_arithmetic3A_214 : i32 to vector<16xi32>
        %add3A_232 = arith.addi %add3A_231, %mul3A_230 : vector<16xi32>
        %add3A_233 = vector.broadcast %sub3A_216 : i32 to vector<16xi32>
        %add3A_234 = arith.addi %mul3A_10, %add3A_233 : vector<16xi32>
        %scatter3A = arith.constant 0 : i32
        %scatter3A_235 = arith.constant 0 : i32
        %scatter3A_236 = arith.constant 0 : i32
        %scatter3A_237 = tpu.memref_slice %arg8[%scan3A_175, %scatter3A, %scatter3A_235, %scatter3A_236] : memref<2x5x4x1024xf32, #tpu.memory_space<vmem>> -> memref<1x5x4x1024xf32, #tpu.memory_space<vmem>>
        %scatter3A_238 = tpu.memref_squeeze %scatter3A_237 : memref<1x5x4x1024xf32, #tpu.memory_space<vmem>> -> memref<5x4x1024xf32, #tpu.memory_space<vmem>>
        tpu.vector_store_idx %scatter3A_238[%add3A_232, %shift_right_arithmetic3A_2, %add3A_234], %get3A_221 : memref<5x4x1024xf32, #tpu.memory_space<vmem>>[vector<16xi32>, vector<16xi32>, vector<16xi32>], vector<16xf32>,
        %scatter3A_239 = arith.constant 0 : i32
        %scatter3A_240 = arith.constant 0 : i32
        %scatter3A_241 = arith.constant 0 : i32
        %scatter3A_242 = tpu.memref_slice %arg8[%scan3A_175, %scatter3A_239, %scatter3A_240, %scatter3A_241] : memref<2x5x4x1024xf32, #tpu.memory_space<vmem>> -> memref<1x5x4x1024xf32, #tpu.memory_space<vmem>>
        %scatter3A_243 = tpu.memref_squeeze %scatter3A_242 : memref<1x5x4x1024xf32, #tpu.memory_space<vmem>> -> memref<5x4x1024xf32, #tpu.memory_space<vmem>>
        tpu.vector_store_idx %scatter3A_243[%add3A_232, %add3A_5, %add3A_234], %get3A_227 : memref<5x4x1024xf32, #tpu.memory_space<vmem>>[vector<16xi32>, vector<16xi32>, vector<16xi32>], vector<16xf32>,
      }
      %scan3A_180 = arith.constant 640 : i32
      %mul3A_181 = arith.constant 13 : i32
      %mul3A_182 = arith.muli %add3A_81, %mul3A_181 : i32
      %shift_right_arithmetic3A_183 = arith.constant 7 : i32
      %shift_right_arithmetic3A_184 = arith.shrsi %mul3A_182, %shift_right_arithmetic3A_183 : i32
      %mul3A_185 = arith.constant 10 : i32
      %mul3A_186 = arith.muli %shift_right_arithmetic3A_184, %mul3A_185 : i32
      %sub3A_187 = arith.subi %add3A_81, %mul3A_186 : i32
      %mul3A_188 = arith.constant 5 : i32
      %mul3A_189 = arith.muli %sub3A_187, %mul3A_188 : i32
      %mul3A_190 = arith.constant 4 : i32
      %mul3A_191 = arith.muli %add3A, %mul3A_190 : i32
      %add3A_192 = arith.addi %mul3A_191, %shift_right_arithmetic3A_184 : i32
      %dma_start3A_193 = arith.constant 1 : i32
      %dma_start3A_194 = arith.constant 0 : i32
      %dma_start3A_195 = arith.constant 0 : i32
      %dma_start3A_196 = arith.constant 0 : i32
      %dma_start3A_197 = tpu.memref_slice %arg8[%dma_start3A_193, %dma_start3A_194, %dma_start3A_195, %dma_start3A_196] : memref<2x5x4x1024xf32, #tpu.memory_space<vmem>> -> memref<1x5x4x1024xf32, #tpu.memory_space<vmem>>
      %dma_start3A_198 = tpu.memref_squeeze %dma_start3A_197 : memref<1x5x4x1024xf32, #tpu.memory_space<vmem>> -> memref<5x4x1024xf32, #tpu.memory_space<vmem>>
      %dma_start3A_199 = arith.constant 0 : i32
      %dma_start3A_200 = arith.constant 0 : i32
      %dma_start3A_201 = tpu.memref_slice %arg4[%mul3A_189, %dma_start3A_199, %add3A_192, %dma_start3A_200] : memref<50x4x128x1024xf32, #tpu.memory_space<hbm>> -> memref<5x4x1x1024xf32, #tpu.memory_space<hbm>>
      %dma_start3A_202 = tpu.memref_squeeze %dma_start3A_201 : memref<5x4x1x1024xf32, #tpu.memory_space<hbm>> -> memref<5x4x1024xf32, #tpu.memory_space<hbm>>
      %dma_start3A_203 = arith.constant 0 : i32
      %dma_start3A_204 = arith.constant 0 : i32
      %dma_start3A_205 = tpu.memref_slice %arg4[%mul3A_189, %dma_start3A_203, %add3A_192, %dma_start3A_204] : memref<50x4x128x1024xf32, #tpu.memory_space<hbm>> -> memref<5x4x1x1024xf32, #tpu.memory_space<hbm>>
      %dma_start3A_206 = tpu.memref_squeeze %dma_start3A_205 : memref<5x4x1x1024xf32, #tpu.memory_space<hbm>> -> memref<5x4x1024xf32, #tpu.memory_space<hbm>>
      %dma_start3A_207 = arith.constant 0 : i32
      %dma_start3A_208 = arith.constant 0 : i32
      %dma_start3A_209 = arith.constant 0 : i32
      %dma_start3A_210 = tpu.memref_slice %arg8[%dma_start3A_193, %dma_start3A_207, %dma_start3A_208, %dma_start3A_209] : memref<2x5x4x1024xf32, #tpu.memory_space<vmem>> -> memref<1x5x4x1024xf32, #tpu.memory_space<vmem>>
      %dma_start3A_211 = tpu.memref_squeeze %dma_start3A_210 : memref<1x5x4x1024xf32, #tpu.memory_space<vmem>> -> memref<5x4x1024xf32, #tpu.memory_space<vmem>>
      tpu.enqueue_dma source(%dma_start3A_211 : memref<5x4x1024xf32, #tpu.memory_space<vmem>>) target(%dma_start3A_206 : memref<5x4x1024xf32, #tpu.memory_space<hbm>>) target_semaphore(%arg12 : memref<!tpu.dma_semaphore, #tpu.memory_space<semaphore_mem>>)
    }
    %scan3A_33 = arith.constant 20 : i32
    %dma_wait3A = arith.constant 0 : i32
    %dma_wait3A_34 = arith.constant 0 : i32
    %dma_wait3A_35 = arith.constant 0 : i32
    %dma_wait3A_36 = arith.constant 0 : i32
    %dma_wait3A_37 = arith.constant 0 : i32
    %dma_wait3A_38 = tpu.memref_slice %arg8[%dma_wait3A, %dma_wait3A_35, %dma_wait3A_36, %dma_wait3A_37] : memref<2x5x4x1024xf32, #tpu.memory_space<vmem>> -> memref<1x5x4x1024xf32, #tpu.memory_space<vmem>>
    %dma_wait3A_39 = tpu.memref_squeeze %dma_wait3A_38 : memref<1x5x4x1024xf32, #tpu.memory_space<vmem>> -> memref<5x4x1024xf32, #tpu.memory_space<vmem>>
    %dma_wait3A_40 = arith.constant 0 : i32
    %dma_wait3A_41 = arith.constant 0 : i32
    %dma_wait3A_42 = arith.constant 0 : i32
    %dma_wait3A_43 = tpu.memref_slice %arg4[%dma_wait3A_40, %dma_wait3A_41, %dma_wait3A_34, %dma_wait3A_42] : memref<50x4x128x1024xf32, #tpu.memory_space<hbm>> -> memref<5x4x1x1024xf32, #tpu.memory_space<hbm>>
    %dma_wait3A_44 = tpu.memref_squeeze %dma_wait3A_43 : memref<5x4x1x1024xf32, #tpu.memory_space<hbm>> -> memref<5x4x1024xf32, #tpu.memory_space<hbm>>
    %dma_wait3A_45 = arith.constant 0 : i32
    %dma_wait3A_46 = arith.constant 0 : i32
    %dma_wait3A_47 = arith.constant 0 : i32
    %dma_wait3A_48 = tpu.memref_slice %arg4[%dma_wait3A_45, %dma_wait3A_46, %dma_wait3A_34, %dma_wait3A_47] : memref<50x4x128x1024xf32, #tpu.memory_space<hbm>> -> memref<5x4x1x1024xf32, #tpu.memory_space<hbm>>
    %dma_wait3A_49 = tpu.memref_squeeze %dma_wait3A_48 : memref<5x4x1x1024xf32, #tpu.memory_space<hbm>> -> memref<5x4x1024xf32, #tpu.memory_space<hbm>>
    %dma_wait3A_50 = arith.constant 0 : i32
    %dma_wait3A_51 = arith.constant 0 : i32
    %dma_wait3A_52 = arith.constant 0 : i32
    %dma_wait3A_53 = tpu.memref_slice %arg8[%dma_wait3A, %dma_wait3A_50, %dma_wait3A_51, %dma_wait3A_52] : memref<2x5x4x1024xf32, #tpu.memory_space<vmem>> -> memref<1x5x4x1024xf32, #tpu.memory_space<vmem>>
    %dma_wait3A_54 = tpu.memref_squeeze %dma_wait3A_53 : memref<1x5x4x1024xf32, #tpu.memory_space<vmem>> -> memref<5x4x1024xf32, #tpu.memory_space<vmem>>
    tpu.wait_dma2 semaphore(%arg11 : memref<!tpu.dma_semaphore, #tpu.memory_space<semaphore_mem>>) src(%dma_wait3A_54 : memref<5x4x1024xf32, #tpu.memory_space<vmem>>) dst(%dma_wait3A_49 : memref<5x4x1024xf32, #tpu.memory_space<hbm>>)
    %dma_wait3A_55 = arith.constant 1 : i32
    %dma_wait3A_56 = arith.constant 0 : i32
    %dma_wait3A_57 = arith.constant 0 : i32
    %dma_wait3A_58 = arith.constant 0 : i32
    %dma_wait3A_59 = arith.constant 0 : i32
    %dma_wait3A_60 = tpu.memref_slice %arg8[%dma_wait3A_55, %dma_wait3A_57, %dma_wait3A_58, %dma_wait3A_59] : memref<2x5x4x1024xf32, #tpu.memory_space<vmem>> -> memref<1x5x4x1024xf32, #tpu.memory_space<vmem>>
    %dma_wait3A_61 = tpu.memref_squeeze %dma_wait3A_60 : memref<1x5x4x1024xf32, #tpu.memory_space<vmem>> -> memref<5x4x1024xf32, #tpu.memory_space<vmem>>
    %dma_wait3A_62 = arith.constant 0 : i32
    %dma_wait3A_63 = arith.constant 0 : i32
    %dma_wait3A_64 = arith.constant 0 : i32
    %dma_wait3A_65 = tpu.memref_slice %arg4[%dma_wait3A_62, %dma_wait3A_63, %dma_wait3A_56, %dma_wait3A_64] : memref<50x4x128x1024xf32, #tpu.memory_space<hbm>> -> memref<5x4x1x1024xf32, #tpu.memory_space<hbm>>
    %dma_wait3A_66 = tpu.memref_squeeze %dma_wait3A_65 : memref<5x4x1x1024xf32, #tpu.memory_space<hbm>> -> memref<5x4x1024xf32, #tpu.memory_space<hbm>>
    %dma_wait3A_67 = arith.constant 0 : i32
    %dma_wait3A_68 = arith.constant 0 : i32
    %dma_wait3A_69 = arith.constant 0 : i32
    %dma_wait3A_70 = tpu.memref_slice %arg4[%dma_wait3A_67, %dma_wait3A_68, %dma_wait3A_56, %dma_wait3A_69] : memref<50x4x128x1024xf32, #tpu.memory_space<hbm>> -> memref<5x4x1x1024xf32, #tpu.memory_space<hbm>>
    %dma_wait3A_71 = tpu.memref_squeeze %dma_wait3A_70 : memref<5x4x1x1024xf32, #tpu.memory_space<hbm>> -> memref<5x4x1024xf32, #tpu.memory_space<hbm>>
    %dma_wait3A_72 = arith.constant 0 : i32
    %dma_wait3A_73 = arith.constant 0 : i32
    %dma_wait3A_74 = arith.constant 0 : i32
    %dma_wait3A_75 = tpu.memref_slice %arg8[%dma_wait3A_55, %dma_wait3A_72, %dma_wait3A_73, %dma_wait3A_74] : memref<2x5x4x1024xf32, #tpu.memory_space<vmem>> -> memref<1x5x4x1024xf32, #tpu.memory_space<vmem>>
    %dma_wait3A_76 = tpu.memref_squeeze %dma_wait3A_75 : memref<1x5x4x1024xf32, #tpu.memory_space<vmem>> -> memref<5x4x1024xf32, #tpu.memory_space<vmem>>
    tpu.wait_dma2 semaphore(%arg12 : memref<!tpu.dma_semaphore, #tpu.memory_space<semaphore_mem>>) src(%dma_wait3A_76 : memref<5x4x1024xf32, #tpu.memory_space<vmem>>) dst(%dma_wait3A_71 : memref<5x4x1024xf32, #tpu.memory_space<hbm>>)
    return
  }
}

</mosaic_0001>

<sc_bundles>
// kernel: _sc_gather.3.cloned.1.call-start
scs
__scs_entry_jumppad:
0x0: {  	(pc) =	sbr.rel $0x88, $3  }
0x1: {  	(tag) =	ssettag $0x0;
	lr =	simm.s32 $0x1  }
0x2: {  	[smem:$0x3F9F] =	sst lr;
	_ =	strace $0xD0000000  }
0x3: {  	_ = 	snop  }
0x4: {  	_ = 	snop  }
0x5: {  	_ = 	snop  }
0x6: {  	_ = 	snop  }
0x7: {  	_ = 	snop  }
__scs_overlays_trampoline_lowered:
0x8: {  	[smem:$0x3FAE] =	sst s0  }
0x9: {  	[smem:$0x3FAF] =	sst s1  }
0xa: {  	[smem:$0x3FB0] =	sst s2  }
0xb: {  	[smem:$0x3FB1] =	sst s3  }
0xc: {  	[smem:$0x3FB2] =	sst s4  }
0xd: {  	[smem:$0x3FB3] =	sst s5  }
0xe: {  	[smem:$0x3FB4] =	sst s6  }
0xf: {  	[smem:$0x3FB5] =	sst s7  }
0x10: {  	[smem:$0x3FB6] =	sst s8  }
0x11: {  	[smem:$0x3FB7] =	sst s9;
	s0 =	simm.s32 @!p0 $0x0  }
0x12: {  	s1 =	sld [smem:$0x3F9D];
	s0 =	simm.s32 @p0 $0x1  }
0x13: {  	[smem:$0x3FB8] =	sst s0;
	s0 =	simm.s32 @!p1 $0x0  }
0x14: {  	s2 =	sld [smem:$0x3F9C];
	s0 =	simm.s32 @p1 $0x1  }
0x15: {  	[smem:$0x3FB9] =	sst s0;
	s0 =	simm.s32 @!p2 $0x0  }
0x16: {  	s3 =	sld [smem:$0x3FDB];
	s0 =	simm.s32 @p2 $0x1  }
0x17: {  	s4 =	simm.s32 $0x1BF5;
	[smem:$0x3FBB] =	sst s0  }
0x18: {  	s0 =	sld [smem:$0x3F9E];
	_ =	swait.ge [sflag:s4], $0x0  }
0x19: {  	s7 =	sld [smem:$0x3F9F]  }
0x1a: {  	s8 =	sadd.s32 $0xFFFFE003, lr  }
0x1b: {  	s9 =	sadd.s32 $0xFFFFFEF7, lr;
	s5 =	simm.s32 $0xFFFFFFFF;
	p2 =	slt.u32 s8, $0xFFFFF086  }
0x1c: {  	p1 =	slt.u32 s9, $0xF7A;
	s5 =	simm.s32 @!p2 $0x0  }
0x1d: {  	s5 =	simm.s32 @p1 $0x1;
	p0 =	seq.s32 s7, s2  }
0x1e: {  	s7 =	smul.u32 @!p0 $0xF7A, s2;
	p2 =	seq.s32 @!p0 s5, $0x0  }
0x1f: {  	s9 =	smul.u32 $0xF7A, s1;
	s8 =	simm.s32 @!p0 $0x1BF5;
	p2 =	por !p2, p0  }
0x20: {  	[sflag:s8] =	ssyncset.s32 @!p0 $0xFFFFF086;
	s6 =	sadd.s32 @!p0 s3, s7;
	s7 =	simm.s32 @!p0 $0x108  }
0x21: {  	s3 =	sadd.s32 s3, s9;
	s6 =	sadd.s32 @!p0 $0x88, s6;
	s7 =	simm.s32 @p2 $0x1082  }
0x22: {  	[simem:s7], [sflag:s8] =	dma.local @!p0 [hbm:s6], $0xF7A  }
0x23: {  	s9 =	sor.u32 $0xD0000000, s2;
	s6 =	simm.s32 $0x108;
	_ =	swait.ge @!p0 [sflag:s8], $0x0  }
0x24: {  	s3 =	sadd.s32 $0x88, s3;
	s6 =	simm.s32 @!p1 $0x1082;
	[sflag:s4] =	ssyncset.s32 $0xFFFFF086  }
0x25: {  	[simem:s6], [sflag:s4] =	dma.local [hbm:s3], $0xF7A  }
0x26: {  	[smem:$0x3F9F] =	sst s1;
	(tag) =	ssettag s2;
	_ =	strace s9  }
0x27: {  	s1 =	sld [smem:$0x3FAF]  }
0x28: {  	s2 =	sld [smem:$0x3FB0]  }
0x29: {  	s4 =	sld [smem:$0x3FB2]  }
0x2a: {  	p0 =	seq.s32 s5, $0x0;
	s5 =	sld [smem:$0x3FB3]  }
0x2b: {  	s6 =	sld [smem:$0x3FB4]  }
0x2c: {  	s7 =	sld [smem:$0x3FB5]  }
0x2d: {  	s3 =	simm.s32 $0x108;
	s8 =	sld [smem:$0x3FB6]  }
0x2e: {  	s3 =	simm.s32 @!p0 $0x1082;
	s9 =	sld [smem:$0x3FB7]  }
0x2f: {  	lr =	sadd.s32 s0, s3;
	s0 =	sld [smem:$0x3FAE]  }
0x30: {  	s3 =	sld [smem:$0x3FB1]  }
0x31: {  	[smem:$0x3FBA] =	sst s10  }
0x32: {  	s10 =	sld [smem:$0x3FB8];
	_ =	sdelay $0x3  }
0x33: {  	p0 =	seq.s32 s10, $0x1;
	s10 =	sld [smem:$0x3FBA];
	_ =	sdelay $0x3  }
0x34: {  	[smem:$0x3FBA] =	sst s10  }
0x35: {  	s10 =	sld [smem:$0x3FB9];
	_ =	sdelay $0x3  }
0x36: {  	p1 =	seq.s32 s10, $0x1;
	s10 =	sld [smem:$0x3FBA];
	_ =	sdelay $0x3  }
0x37: {  	[smem:$0x3FBA] =	sst s10  }
0x38: {  	s10 =	sld [smem:$0x3FBB]  }
0x39: {  	_ = 	snop;
	(pc) =	sbr.ind lr, $3  }
0x3a: {  	_ = 	snop  }
0x3b: {  	_ = 	snop  }
0x3c: {  	p2 =	seq.s32 s10, $0x1;
	s10 =	sld [smem:$0x3FBA]  }
0x3d: {  	_ =	shalt  }
0x3e: {  	_ =	shalt  }
0x3f: {  	_ =	shalt  }
0x40: {  	_ =	shalt  }
0x41: {  	_ =	shalt  }
0x42: {  	_ =	shalt  }
0x43: {  	_ =	shalt  }
0x44: {  	_ =	shalt  }
0x45: {  	_ =	shalt  }
0x46: {  	_ =	shalt  }
0x47: {  	_ =	shalt  }
0x48: {  	_ =	shalt  }
0x49: {  	_ =	shalt  }
0x4a: {  	_ =	shalt  }
0x4b: {  	_ =	shalt  }
0x4c: {  	_ =	shalt  }
0x4d: {  	_ =	shalt  }
0x4e: {  	_ =	shalt  }
0x4f: {  	_ =	shalt  }
0x50: {  	_ =	shalt  }
0x51: {  	_ =	shalt  }
0x52: {  	_ =	shalt  }
0x53: {  	_ =	shalt  }
0x54: {  	_ =	shalt  }
0x55: {  	_ =	shalt  }
0x56: {  	_ =	shalt  }
0x57: {  	_ =	shalt  }
0x58: {  	_ =	shalt  }
0x59: {  	_ =	shalt  }
0x5a: {  	_ =	shalt  }
0x5b: {  	_ =	shalt  }
0x5c: {  	_ =	shalt  }
0x5d: {  	_ =	shalt  }
0x5e: {  	_ =	shalt  }
0x5f: {  	_ =	shalt  }
0x60: {  	_ =	shalt  }
0x61: {  	_ =	shalt  }
0x62: {  	_ =	shalt  }
0x63: {  	_ =	shalt  }
0x64: {  	_ =	shalt  }
0x65: {  	_ =	shalt  }
0x66: {  	_ =	shalt  }
0x67: {  	_ =	shalt  }
0x68: {  	_ =	shalt  }
0x69: {  	_ =	shalt  }
0x6a: {  	_ =	shalt  }
0x6b: {  	_ =	shalt  }
0x6c: {  	_ =	shalt  }
0x6d: {  	_ =	shalt  }
0x6e: {  	_ =	shalt  }
0x6f: {  	_ =	shalt  }
0x70: {  	_ =	shalt  }
0x71: {  	_ =	shalt  }
0x72: {  	_ =	shalt  }
0x73: {  	_ =	shalt  }
0x74: {  	_ =	shalt  }
0x75: {  	_ =	shalt  }
0x76: {  	_ =	shalt  }
0x77: {  	_ =	shalt  }
0x78: {  	_ =	shalt  }
0x79: {  	_ =	shalt  }
0x7a: {  	_ =	shalt  }
0x7b: {  	_ =	shalt  }
0x7c: {  	_ =	shalt  }
0x7d: {  	_ =	shalt  }
0x7e: {  	_ =	shalt  }
0x7f: {  	_ =	shalt  }
0x80: {  	_ =	shalt  }
0x81: {  	_ =	shalt  }
0x82: {  	_ =	shalt  }
0x83: {  	_ =	shalt  }
0x84: {  	_ =	shalt  }
0x85: {  	_ =	shalt  }
0x86: {  	_ =	shalt  }
0x87: {  	_ =	shalt  }
.Lfunc_end0:
.L_simem_size_0:
called_computation_lowered:
.L_overlay_start_0:
0x88: {  	s2 =	sld [smem:$0x3FD9]  }
0x89: {  	s3 =	sld [smem:$0x3FFE];
	_ =	sdelay $0x1  }
0x8a: {  	s1 =	srdreg.scid  }
0x8b: {  	s0 =	sand.u32 $0x1, s1  }
0x8c: {  	s17 =	sshll.u32 s0, $0xA;
	s2 =	sadd.s32 s3, s2  }
0x8d: {  	s2 =	sadd.s32 s2, s17  }
0x8e: {  	[smem:$0x3FC6] =	sst s2  }
0x8f: {  	_ = 	snop  }
0x90: {  	s2 =	sld [smem:$0x3FC9];
	(tm) =	ssettm $0x1  }
0x91: {  	s18 =	sld [smem:$0x3FFB];
	_ =	sdelay $0x3  }
0x92: {  	_ =	strace s18  }
0x93: {  	s3 =	sld [smem:$0x3FFC];
	_ =	sdelay $0x3  }
0x94: {  	_ =	strace s3  }
0x95: {  	s3 =	sld [smem:$0x3FFD];
	_ =	sdelay $0x3  }
0x96: {  	_ =	strace s3  }
0x97: {  	_ =	strace $0x8FFFFFFF  }
0x98: {  	s19 =	sld [smem:$0x3FDB];
	_ =	sdelay $0x1  }
0x99: {  	s4 =	simm.s32 $_scs_section_size  }
0x9a: {  	s5 =	simm.s32 $_size__tile_overlayer_lowered;
	s6 =	simm.s32 $_tile_overlayer_lowered  }
0x9b: {  	s22 =	simm.s32 $0x1BFF;
	s21 =	sshll.u32 s6, $0x1;
	s3 =	sadd.s32 s4, s19  }
0x9c: {  	s7 =	simm.s32 $0x0;
	s20 =	sshll.u32 s5, $0x1;
	s5 =	sadd.s32 s21, s3  }
0x9d: {  	[timem:s7], [sflag:s22] =	dma.local [hbm:s5], s20  }
0x9e: {  	_ =	swait.ge [sflag:s22], s20  }
0x9f: {  	s4 =	ssub.s32 $0x0, s20;
	[sflag:s22] =	ssyncset.done $0x0  }
0xa0: {  	[sflag:s22] =	ssyncadd.s32 s4;
	_ =	sdelay $0x1  }
0xa1: {  	s23 =	simm.s32 $0x1B8B  }
0xa2: {  	_ =	swait.ge [sflag:s23], $0x1  }
0xa3: {  	[sflag:s23] =	ssyncset.done $0x0  }
0xa4: {  	s25 =	simm.s32 $0x1B8E;
	s24 =	sld [smem:$0x3FFE];
	[sflag:s23] =	ssyncadd.s32 $0xFFFFFFFF  }
0xa5: {  	s26 =	simm.s32 $execute0_lowered;
	[smem:$0x3FD2] =	sst s25  }
0xa6: {  	s5 =	sshll.u32 s26, $0x1;
	_ =	strace $0x80000046;
	[dreg:$0x1] =	wrdreg $0xFFFFFFFF  }
0xa7: {  	s28 =	simm.s32 $_size_execute0_lowered;
	s3 =	sadd.s32 s3, s5;
	[dreg:$0x0] =	wrdreg $0x0  }
0xa8: {  	s5 =	sshll.u32 s28, $0x1;
	[dreg:$0x2] =	wrdreg s3  }
0xa9: {  	[dreg:$0x3] =	wrdreg s5  }
0xaa: {  	[dreg:$0x4] =	wrdreg $0xC0  }
0xab: {  	_ =	task [dreg:s7], $0x5FFFF  }
0xac: {  	[dreg:$0x1] =	wrdreg $0xFFFFFFFF  }
0xad: {  	[dreg:$0x0] =	wrdreg $0x60  }
0xae: {  	[dreg:$0x2] =	wrdreg s24  }
0xaf: {  	[dreg:$0x3] =	wrdreg s2  }
0xb0: {  	[dreg:$0x4] =	wrdreg $0x9  }
0xb1: {  	_ =	task.clear_ibuf [dreg:s7], $0x5FFFF;
	_ =	strace $0x90000046  }
0xb2: {  	s29 =	simm.s32 $0x9;
	_ =	strace $0x80000048  }
0xb3: {  	_ =	swait.ge [sflag:s29], $0x1  }
0xb4: {  	[sflag:s29] =	ssyncadd.s32 $0xFFFFFFFF  }
0xb5: {  	_ =	strace $0x90000048  }
0xb6: {  	_ =	sfence  }
0xb7: {  	s30 =	sld [smem:$0x0];
	_ =	sdelay $0x2  }
0xb8: {  	s31 =	sshll.u32 s1, $0xD;
	s1 =	sshrl.u32 s1, $0x2  }
0xb9: {  	s3 =	sand.u32 $0x4000, s31;
	s1 =	sadd.s32 s1, s30  }
0xba: {  	s0 =	sor.u32 s3, s0;
	s1 =	sshll.u32 s1, $0x11  }
0xbb: {  	s0 =	sor.u32 s1, s0  }
0xbc: {  	s0 =	sadd.s32 $0x8F2B, s0  }
0xbd: {  	[sflag:s0] =	ssyncadd.remote.s32 $0x1  }
0xbe: {  	_ =	sfence.sel $0xFFFF  }
0xbf: {  	[dreg:$0x0] =	wrdreg $0xFFFFFFFF;
	(pc) =	sbr.abs _section_cstart, $3  }
0xc0: {  	[dreg:$0x1] =	wrdreg $0xFFFFFFFF  }
0xc1: {  	_ =	task.clear_ibuf [dreg:s7], $0x2FFFF;
	_ =	strace $0x9FFFFFFF  }
0xc2: {  	(tm) =	ssettm $0x7FFFFFFF  }
0xc3: {  	_ =	shalt  }
tec
execute0_lowered:
.L_overlay_start_1:
0x0: {  	(tag) =	ssettag $0x1  }
0x1: {  	s0 =	rddreg [dreg:$0x0]  }
0x2: {  	s8 =	rddreg [dreg:$0x1];
	s3 =	simm.s32 $0x0  }
0x3: {  	s1 =	srdreg.scid;
	s2 =	stileid.u32;
	s10 =	simm.s32 $0x80  }
0x4: {  	s28 =	simm.s32 $0x4400;
	s29 =	simm.s32 $0xC500;
	s30 =	simm.s32 $0x4480  }
0x5: {  	s31 =	simm.s32 $0xD500;
	s9 =	simm.s32 $0x2;
	s13 =	simm.s32 $0x0  }
0x6: {  	[smem:$0x7FF] =	sst s3;
	s1 =	sand.u32 $0x1, s1;
	s2 =	sshll.u32 s2, $0x1  }
0x7: {  	s4 =	sadd.s32 $0xF42800, s0;
	s5 =	sadd.s32 $0x400, s0;
	s6 =	ssub.s32 $0x2, s1  }
0x8: {  	v8 =	vlaneseq.u32;
	_ =	strace $0x80000047;
	s1 =	sor.u32 s1, s2;
	s24 =	sshrl.u32 s6, $0x1  }
0x9: {  	v0 =	vmul.u32 $0x80, v8;
	v5 =	vshrl.u32 v8, $0x3;
	s2 =	simm.s32 $0x13500;
	s7 =	sshll.u32 s1, $0xD;
	s25 =	ssub.s32 s6, s24  }
0xa: {  	v9 =	vand.u32 $0x7, v8;
	v5 =	vmul.u32 $0x400, v5;
	s26 =	sadd.s32 s8, s7;
	s7 =	sshll.u32 s1, $0x2;
	s24 =	simm.s32 $0xA500  }
0xb: {  	v9 =	vmul.u32 $0x80, v9;
	v1 =	vor.u32 $0x800, v0;
	v2 =	vor.u32 $0x1000, v0;
	s1 =	simm.s32 $0xE500;
	s6 =	simm.s32 $0x400;
	s8 =	simm.s32 $0x20000  }
0xc: {  	v3 =	vor.u32 $0x1800, v0;
	v4 =	vor.u32 $0x2000, v0;
	v6 =	vor.u32 $0x2800, v0;
	[dreg:$0x3] =	wrdreg s26;
	s0 =	smax.u32 s25, $0x1;
	s25 =	simm.s32 $0x4380  }
0xd: {  	v7 =	vor.u32 $0x3000, v0;
	v8 =	vor.u32 $0x3800, v0;
	v10 =	vor.u32 $0x800, v5;
	s26 =	simm.s32 $0xB500;
	[dreg:$0x4] =	wrdreg s0;
	s0 =	simm.s32 $0x1  }
.LBB2_1:
0xe: {  	v11 =	vmov s3  }
0xf: {  	v11 =	vand.u32 $0x7, v11  }
0x10: {  	v11 =	vbroadcast v11, $0x0  }
0x11: {  	[dreg:$0x5] =	wrdreg s13  }
0x12: {  	s11 =	rddreg [dreg:$0x3];
	s23 =	simm.s32 $0x5;
	v12 =	vor.u32 v0, v11  }
0x13: {  	[tilespmem:s3], [sflag:$0x5] =	stream.linear.gather [hbm4b:s11+s3], $0x4000, $0x38;
	[tilespmem:$0x18500] =	vst v63  }
0x14: {  	_ =	swait.ge [sflag:s23], $0x4000  }
0x15: {  	[sflag:s23] =	ssyncset.done $0x0  }
0x16: {  	[sflag:s23] =	ssyncadd.s32 $0xFFFFC000  }
0x17: {  	v12 =	vld.idx.msk [tilespmem:v12+s3+$0x0], $0xffff  }
0x18: {  	v13 =	vor.u32 v1, v11;
	_ =	sdelay $0x2  }
0x19: {  	s11 =	simm.s32 $0x4040  }
0x1a: {  	[tilespmem:s11+$0xFFFFFFC0] =	vst v12  }
0x1b: {  	v12 =	vld.idx.msk [tilespmem:v13+s3+$0x0], $0xffff  }
0x1c: {  	v13 =	vor.u32 v2, v11;
	_ =	sdelay $0x3  }
0x1d: {  	[tilespmem:s11+$0xFFFFFFD0] =	vst v12  }
0x1e: {  	v12 =	vld.idx.msk [tilespmem:v13+s3+$0x0], $0xffff  }
0x1f: {  	v13 =	vor.u32 v3, v11;
	_ =	sdelay $0x3  }
0x20: {  	[tilespmem:s11+$0xFFFFFFE0] =	vst v12  }
0x21: {  	v12 =	vld.idx.msk [tilespmem:v13+s3+$0x0], $0xffff  }
0x22: {  	v13 =	vor.u32 v4, v11;
	_ =	sdelay $0x3  }
0x23: {  	[tilespmem:s11+$0xFFFFFFF0] =	vst v12  }
0x24: {  	v12 =	vld.idx.msk [tilespmem:v13+s3+$0x0], $0xffff  }
0x25: {  	v13 =	vor.u32 v6, v11;
	_ =	sdelay $0x3  }
0x26: {  	[tilespmem:s11+$0x0] =	vst v12  }
0x27: {  	v12 =	vld.idx.msk [tilespmem:v13+s3+$0x0], $0xffff  }
0x28: {  	v13 =	vor.u32 v7, v11;
	_ =	sdelay $0x3  }
0x29: {  	[tilespmem:s11+$0x10] =	vst v12  }
0x2a: {  	v12 =	vld.idx.msk [tilespmem:v13+s3+$0x0], $0xffff  }
0x2b: {  	v11 =	vor.u32 v8, v11;
	_ =	sdelay $0x1  }
0x2c: {  	s12 =	simm.s32 $0x1  }
0x2d: {  	v13 =	vmov s12;
	s12 =	simm.s32 $0x2  }
.LBB2_2:
0x2e: {  	p0 =	sne.s32 s12, $0x4;
	v13 =	vand.u32 $0x7, v13;
	[tilespmem:s11+$0x20] =	vst v12  }
0x2f: {  	v13 =	vbroadcast v13, $0x0;
	v11 =	vld.idx.msk [tilespmem:v11+s3+$0x0], $0xffff;
	_ =	sdelay $0x1  }
0x30: {  	v12 =	vor.u32 v0, v13;
	_ =	sdelay $0x3  }
0x31: {  	[tilespmem:s11+$0x30] =	vst v11  }
0x32: {  	v11 =	vld.idx.msk [tilespmem:v12+s3+$0x0], $0xffff;
	_ =	sdelay $0x1  }
0x33: {  	v12 =	vor.u32 v1, v13;
	_ =	sdelay $0x2  }
0x34: {  	s11 =	sadd.s32 $0x80, s11  }
0x35: {  	[tilespmem:s11+$0xFFFFFFC0] =	vst v11  }
0x36: {  	v11 =	vld.idx.msk [tilespmem:v12+s3+$0x0], $0xffff;
	_ =	sdelay $0x1  }
0x37: {  	v12 =	vor.u32 v2, v13;
	_ =	sdelay $0x3  }
0x38: {  	[tilespmem:s11+$0xFFFFFFD0] =	vst v11  }
0x39: {  	v11 =	vld.idx.msk [tilespmem:v12+s3+$0x0], $0xffff;
	_ =	sdelay $0x1  }
0x3a: {  	v12 =	vor.u32 v3, v13;
	_ =	sdelay $0x3  }
0x3b: {  	[tilespmem:s11+$0xFFFFFFE0] =	vst v11  }
0x3c: {  	v11 =	vld.idx.msk [tilespmem:v12+s3+$0x0], $0xffff;
	_ =	sdelay $0x1  }
0x3d: {  	v12 =	vor.u32 v4, v13;
	_ =	sdelay $0x3  }
0x3e: {  	[tilespmem:s11+$0xFFFFFFF0] =	vst v11  }
0x3f: {  	v11 =	vld.idx.msk [tilespmem:v12+s3+$0x0], $0xffff;
	_ =	sdelay $0x1  }
0x40: {  	v12 =	vor.u32 v6, v13;
	_ =	sdelay $0x3  }
0x41: {  	[tilespmem:s11+$0x0] =	vst v11  }
0x42: {  	v11 =	vld.idx.msk [tilespmem:v12+s3+$0x0], $0xffff;
	_ =	sdelay $0x1  }
0x43: {  	v12 =	vor.u32 v7, v13;
	_ =	sdelay $0x3  }
0x44: {  	[tilespmem:s11+$0x10] =	vst v11  }
0x45: {  	v12 =	vld.idx.msk [tilespmem:v12+s3+$0x0], $0xffff  }
.Ltmp0:
0x46: {  	(pc) =	sbr.rel @p0 .LBB2_2-.Ltmp0, $2  }
0x47: {  	v11 =	vor.u32 v8, v13;
	_ =	sdelay $0x2  }
0x48: {  	v13 =	vmov s12;
	s12 =	sadd.s32 $0x1, s12  }
0x49: {  	_ =	sdelay $0x1  }
0x4a: {  	v13 =	vand.u32 $0x7, v13  }
0x4b: {  	[tilespmem:s11+$0x20] =	vst v12;
	v57 =	vbroadcast v13, $0x0  }
0x4c: {  	v11 =	vld.idx.msk [tilespmem:v11+s3+$0x0], $0xffff  }
0x4d: {  	v13 =	vor.u32 v0, v57;
	_ =	sdelay $0x3  }
0x4e: {  	[tilespmem:s11+$0x30] =	vst v11  }
0x4f: {  	v11 =	vld.idx.msk [tilespmem:v13+s3+$0x0], $0xffff  }
0x50: {  	v58 =	vor.u32 v1, v57;
	_ =	sdelay $0x2  }
0x51: {  	s14 =	sadd.s32 $0x80, s11  }
0x52: {  	[tilespmem:s14+$0xFFFFFFC0] =	vst v11  }
0x53: {  	v11 =	vld.idx.msk [tilespmem:v58+s3+$0x0], $0xffff  }
0x54: {  	v59 =	vor.u32 v2, v57;
	_ =	sdelay $0x3  }
0x55: {  	[tilespmem:s14+$0xFFFFFFD0] =	vst v11  }
0x56: {  	v11 =	vld.idx.msk [tilespmem:v59+s3+$0x0], $0xffff  }
0x57: {  	v60 =	vor.u32 v3, v57;
	_ =	sdelay $0x3  }
0x58: {  	[tilespmem:s14+$0xFFFFFFE0] =	vst v11  }
0x59: {  	v11 =	vld.idx.msk [tilespmem:v60+s3+$0x0], $0xffff  }
0x5a: {  	v61 =	vor.u32 v4, v57;
	_ =	sdelay $0x3  }
0x5b: {  	[tilespmem:s14+$0xFFFFFFF0] =	vst v11  }
0x5c: {  	v11 =	vld.idx.msk [tilespmem:v61+s3+$0x0], $0xffff  }
0x5d: {  	v62 =	vor.u32 v6, v57;
	_ =	sdelay $0x3  }
0x5e: {  	[tilespmem:s14+$0x0] =	vst v11  }
0x5f: {  	v11 =	vld.idx.msk [tilespmem:v62+s3+$0x0], $0xffff  }
0x60: {  	v63 =	vor.u32 v7, v57;
	_ =	sdelay $0x3  }
0x61: {  	[tilespmem:s14+$0x10] =	vst v11  }
0x62: {  	v11 =	vld.idx.msk [tilespmem:v63+s3+$0x0], $0xffff  }
0x63: {  	v12 =	vor.u32 v8, v57;
	_ =	sdelay $0x3  }
0x64: {  	[tilespmem:s14+$0x20] =	vst v11  }
0x65: {  	v11 =	vld.idx.msk [tilespmem:v12+s3+$0x0], $0xffff;
	_ =	sdelay $0x4  }
0x66: {  	s15 =	simm.s32 $0x4000;
	s12 =	simm.s32 $0x4500;
	s16 =	simm.s32 $0x4080;
	[tilespmem:s14+$0x30] =	vst v11  }
0x67: {  	[tilespmem:s12], [sflag:$0x1] =	stream.indirect.gather [hbm4b:s4+s10], $0x20, s15, s10, $0xb8;
	[tilespmem:$0x18500] =	vst v63  }
0x68: {  	s17 =	simm.s32 $0x5500;
	s18 =	simm.s32 $0x4100;
	s19 =	simm.s32 $0x6500  }
0x69: {  	[tilespmem:s17], [sflag:$0x1] =	stream.indirect.gather [hbm4b:s4+s10], $0x20, s16, s10, $0xb8;
	[tilespmem:$0x18500] =	vst v63  }
0x6a: {  	s20 =	simm.s32 $0x4180;
	s21 =	simm.s32 $0x7500;
	s22 =	simm.s32 $0x4200  }
0x6b: {  	[tilespmem:s19], [sflag:$0x1] =	stream.indirect.gather [hbm4b:s4+s10], $0x20, s18, s10, $0xb8;
	[tilespmem:$0x18500] =	vst v63  }
0x6c: {  	s23 =	simm.s32 $0x8500;
	s13 =	simm.s32 $0xD;
	s11 =	simm.s32 $0x0  }
0x6d: {  	[tilespmem:s21], [sflag:$0x1] =	stream.indirect.gather [hbm4b:s4+s10], $0x20, s20, s10, $0xb8;
	[tilespmem:$0x18500] =	vst v63  }
0x6e: {  	s14 =	simm.s32 $0xA;
	s12 =	simm.s32 $0x5;
	s15 =	simm.s32 $0x1A  }
0x6f: {  	[tilespmem:s23], [sflag:$0x1] =	stream.indirect.gather [hbm4b:s4+s10], $0x20, s22, s10, $0xb8;
	[tilespmem:$0x18500] =	vst v63  }
.LBB2_4:
0x70: {  	s16 =	sshrl.u32 s13, $0x7  }
0x71: {  	s16 =	smul.u32 $0x32, s16;
	_ =	sdelay $0x1  }
0x72: {  	s21 =	ssub.s32 s12, s16  }
0x73: {  	s16 =	sadd.s32 $0x0, s21  }
0x74: {  	v11 =	vadd.s32 s16, v0;
	_ =	sdelay $0x4  }
0x75: {  	v11 =	vld.idx.msk [tilespmem:v11+s3+$0x0], $0xffff  }
0x76: {  	v12 =	vadd.s32 s16, v1;
	_ =	sdelay $0x2  }
0x77: {  	s20 =	simm.s32 $0x42F0  }
0x78: {  	[tilespmem:s20+$0xFFFFFF90] =	vst v11  }
0x79: {  	v11 =	vld.idx.msk [tilespmem:v12+s3+$0x0], $0xffff  }
0x7a: {  	v58 =	vadd.s32 s16, v2;
	_ =	sdelay $0x3  }
0x7b: {  	[tilespmem:s20+$0xFFFFFFA0] =	vst v11  }
0x7c: {  	v11 =	vld.idx.msk [tilespmem:v58+s3+$0x0], $0xffff  }
0x7d: {  	v59 =	vadd.s32 s16, v3;
	_ =	sdelay $0x3  }
0x7e: {  	[tilespmem:s20+$0xFFFFFFB0] =	vst v11  }
0x7f: {  	v11 =	vld.idx.msk [tilespmem:v59+s3+$0x0], $0xffff  }
0x80: {  	v60 =	vadd.s32 s16, v4;
	_ =	sdelay $0x3  }
0x81: {  	[tilespmem:s20+$0xFFFFFFC0] =	vst v11  }
0x82: {  	v11 =	vld.idx.msk [tilespmem:v60+s3+$0x0], $0xffff  }
0x83: {  	v61 =	vadd.s32 s16, v6;
	_ =	sdelay $0x3  }
0x84: {  	[tilespmem:s20+$0xFFFFFFD0] =	vst v11  }
0x85: {  	v11 =	vld.idx.msk [tilespmem:v61+s3+$0x0], $0xffff  }
0x86: {  	v62 =	vadd.s32 s16, v7;
	_ =	sdelay $0x3  }
0x87: {  	[tilespmem:s20+$0xFFFFFFE0] =	vst v11  }
0x88: {  	s22 =	sshllo.u32 s11, $0x1;
	v11 =	vld.idx.msk [tilespmem:v62+s3+$0x0], $0xffff  }
0x89: {  	s17 =	smul.u32 $0xD, s22;
	v63 =	vadd.s32 s16, v8  }
0x8a: {  	s23 =	sshrl.u32 s15, $0x7  }
0x8b: {  	s18 =	sshrl.u32 s17, $0x7;
	s16 =	smul.u32 $0x32, s23  }
0x8c: {  	s23 =	smul.u32 $0xFFFFFFF6, s18  }
0x8d: {  	s19 =	sshll.u32 s11, $0x1;
	s17 =	ssub.s32 s14, s16;
	[tilespmem:s20+$0xFFFFFFF0] =	vst v11  }
0x8e: {  	s16 =	sadd.s32 s22, s23;
	s22 =	sadd.s32 $0x1, s21;
	s23 =	simm.s32 $0x2;
	v11 =	vld.idx.msk [tilespmem:v63+s3+$0x0], $0xffff  }
.LBB2_5:
0x8f: {  	p0 =	sne.s32 s23, $0x4;
	v12 =	vadd.s32 s22, v0;
	_ =	sdelay $0x3  }
0x90: {  	[tilespmem:s20+$0x0] =	vst v11  }
0x91: {  	v11 =	vld.idx.msk [tilespmem:v12+s3+$0x0], $0xffff;
	_ =	sdelay $0x1  }
0x92: {  	v12 =	vadd.s32 s22, v1;
	_ =	sdelay $0x2  }
0x93: {  	s20 =	sadd.s32 $0x80, s20  }
0x94: {  	[tilespmem:s20+$0xFFFFFF90] =	vst v11  }
0x95: {  	v11 =	vld.idx.msk [tilespmem:v12+s3+$0x0], $0xffff;
	_ =	sdelay $0x1  }
0x96: {  	v12 =	vadd.s32 s22, v2;
	_ =	sdelay $0x3  }
0x97: {  	[tilespmem:s20+$0xFFFFFFA0] =	vst v11  }
0x98: {  	v11 =	vld.idx.msk [tilespmem:v12+s3+$0x0], $0xffff;
	_ =	sdelay $0x1  }
0x99: {  	v12 =	vadd.s32 s22, v3;
	_ =	sdelay $0x3  }
0x9a: {  	[tilespmem:s20+$0xFFFFFFB0] =	vst v11  }
0x9b: {  	v11 =	vld.idx.msk [tilespmem:v12+s3+$0x0], $0xffff;
	_ =	sdelay $0x1  }
0x9c: {  	v12 =	vadd.s32 s22, v4;
	_ =	sdelay $0x3  }
0x9d: {  	[tilespmem:s20+$0xFFFFFFC0] =	vst v11  }
0x9e: {  	v11 =	vld.idx.msk [tilespmem:v12+s3+$0x0], $0xffff;
	_ =	sdelay $0x1  }
0x9f: {  	v12 =	vadd.s32 s22, v6;
	_ =	sdelay $0x3  }
0xa0: {  	[tilespmem:s20+$0xFFFFFFD0] =	vst v11  }
0xa1: {  	v11 =	vld.idx.msk [tilespmem:v12+s3+$0x0], $0xffff;
	_ =	sdelay $0x1  }
0xa2: {  	v12 =	vadd.s32 s22, v7;
	_ =	sdelay $0x3  }
0xa3: {  	[tilespmem:s20+$0xFFFFFFE0] =	vst v11  }
0xa4: {  	v11 =	vld.idx.msk [tilespmem:v12+s3+$0x0], $0xffff;
	_ =	sdelay $0x1  }
0xa5: {  	v12 =	vadd.s32 s22, v8;
	_ =	sdelay $0x1  }
.Ltmp1:
0xa6: {  	(pc) =	sbr.rel @p0 .LBB2_5-.Ltmp1, $4  }
0xa7: {  	_ = 	snop  }
0xa8: {  	[tilespmem:s20+$0xFFFFFFF0] =	vst v11  }
0xa9: {  	v11 =	vld.idx.msk [tilespmem:v12+s3+$0x0], $0xffff  }
0xaa: {  	s22 =	sadd.s32 s23, s21;
	s23 =	sadd.s32 $0x1, s23  }
0xab: {  	v12 =	vadd.s32 s22, v0;
	_ =	sdelay $0x3  }
0xac: {  	[tilespmem:s20+$0x0] =	vst v11  }
0xad: {  	v11 =	vld.idx.msk [tilespmem:v12+s3+$0x0], $0xffff  }
0xae: {  	v12 =	vadd.s32 s22, v1;
	_ =	sdelay $0x2  }
0xaf: {  	s21 =	sadd.s32 $0x80, s20  }
0xb0: {  	[tilespmem:s21+$0xFFFFFF90] =	vst v11  }
0xb1: {  	v11 =	vld.idx.msk [tilespmem:v12+s3+$0x0], $0xffff  }
0xb2: {  	v12 =	vadd.s32 s22, v2;
	_ =	sdelay $0x3  }
0xb3: {  	[tilespmem:s21+$0xFFFFFFA0] =	vst v11  }
0xb4: {  	v11 =	vld.idx.msk [tilespmem:v12+s3+$0x0], $0xffff  }
0xb5: {  	v12 =	vadd.s32 s22, v3;
	_ =	sdelay $0x3  }
0xb6: {  	[tilespmem:s21+$0xFFFFFFB0] =	vst v11  }
0xb7: {  	v11 =	vld.idx.msk [tilespmem:v12+s3+$0x0], $0xffff  }
0xb8: {  	v12 =	vadd.s32 s22, v4;
	_ =	sdelay $0x3  }
0xb9: {  	[tilespmem:s21+$0xFFFFFFC0] =	vst v11  }
0xba: {  	v11 =	vld.idx.msk [tilespmem:v12+s3+$0x0], $0xffff  }
0xbb: {  	v12 =	vadd.s32 s22, v6;
	_ =	sdelay $0x3  }
0xbc: {  	[tilespmem:s21+$0xFFFFFFD0] =	vst v11  }
0xbd: {  	v11 =	vld.idx.msk [tilespmem:v12+s3+$0x0], $0xffff  }
0xbe: {  	v12 =	vadd.s32 s22, v7;
	_ =	sdelay $0x3  }
0xbf: {  	[tilespmem:s21+$0xFFFFFFE0] =	vst v11  }
0xc0: {  	v11 =	vld.idx.msk [tilespmem:v12+s3+$0x0], $0xffff  }
0xc1: {  	v12 =	vadd.s32 s22, v8;
	_ =	sdelay $0x3  }
0xc2: {  	[tilespmem:s21+$0xFFFFFFF0] =	vst v11  }
0xc3: {  	v11 =	vld.idx.msk [tilespmem:v12+s3+$0x0], $0xffff;
	_ =	sdelay $0x4  }
0xc4: {  	s23 =	simm.s32 $0x4280;
	[tilespmem:s21+$0x0] =	vst v11;
	s21 =	simm.s32 $0x9500  }
0xc5: {  	[tilespmem:s21], [sflag:$0x2] =	stream.indirect.gather [hbm4b:s4+s10], $0x20, s23, s10, $0xb8;
	[tilespmem:$0x18500] =	vst v63  }
0xc6: {  	s22 =	simm.s32 $0x4300  }
0xc7: {  	[tilespmem:s24], [sflag:$0x2] =	stream.indirect.gather [hbm4b:s4+s10], $0x20, s22, s10, $0xb8;
	[tilespmem:$0x18500] =	vst v63  }
0xc8: {  	_ = 	snop  }
0xc9: {  	[tilespmem:s26], [sflag:$0x2] =	stream.indirect.gather [hbm4b:s4+s10], $0x20, s25, s10, $0xb8;
	[tilespmem:$0x18500] =	vst v63  }
0xca: {  	_ = 	snop  }
0xcb: {  	[tilespmem:s29], [sflag:$0x2] =	stream.indirect.gather [hbm4b:s4+s10], $0x20, s28, s10, $0xb8;
	[tilespmem:$0x18500] =	vst v63  }
0xcc: {  	_ = 	snop  }
0xcd: {  	[tilespmem:s31], [sflag:$0x2] =	stream.indirect.gather [hbm4b:s4+s10], $0x20, s30, s10, $0xb8;
	[tilespmem:$0x18500] =	vst v63  }
0xce: {  	_ =	swait.ge [sflag:s0], $0x1000  }
0xcf: {  	[sflag:s0] =	ssyncset.done $0x0  }
0xd0: {  	[sflag:s0] =	ssyncadd.s32 $0xFFFFF000  }
0xd1: {  	_ =	swait.ge [sflag:s0], $0x1000  }
0xd2: {  	[sflag:s0] =	ssyncset.done $0x0  }
0xd3: {  	[sflag:s0] =	ssyncadd.s32 $0xFFFFF000  }
0xd4: {  	_ =	swait.ge [sflag:s0], $0x1000  }
0xd5: {  	[sflag:s0] =	ssyncset.done $0x0  }
0xd6: {  	[sflag:s0] =	ssyncadd.s32 $0xFFFFF000  }
0xd7: {  	_ =	swait.ge [sflag:s0], $0x1000  }
0xd8: {  	[sflag:s0] =	ssyncset.done $0x0  }
0xd9: {  	[sflag:s0] =	ssyncadd.s32 $0xFFFFF000  }
0xda: {  	s23 =	simm.s32 $0x0;
	_ =	swait.ge [sflag:s0], $0x1000  }
0xdb: {  	p0 =	seq.s32 s11, $0x0;
	s21 =	sand.u32 $0x7F, s23;
	[sflag:s0] =	ssyncset.done $0x0  }
0xdc: {  	s20 =	simm.s32 @!p0 $0x3;
	s22 =	simm.s32 $0x0;
	v11 =	vmov s21;
	[sflag:s0] =	ssyncadd.s32 $0xFFFFF000  }
0xdd: {  	v12 =	vor.u32 s21, v9;
	v11 =	vand.u32 $0x7, v11;
	s23 =	sand.u32 $0xFFFFF000, s22;
	_ =	swait.ge @!p0 [sflag:s20], $0x5000  }
0xde: {  	s21 =	sshll.u32 s21, $0x5;
	s22 =	sand.u32 $0x3FFFF000, s22;
	v12 =	vand.u32 $0x3F8, v12;
	v11 =	vor.u32 s23, v11;
	[sflag:s20] =	ssyncset.done @!p0 $0x0  }
0xdf: {  	s22 =	sor.u32 s21, s22;
	v13 =	vor.u32 v12, v11;
	[sflag:s20] =	ssyncadd.s32 @!p0 $0xFFFFB000  }
0xe0: {  	v14 =	vor.u32 v5, v13;
	v12 =	vld [tilespmem:s22+$0x4500]  }
0xe1: {  	v13 =	vor.u32 v10, v13;
	s20 =	simm.s32 $0x1;
	v11 =	vld [tilespmem:s22+$0x4510]  }
0xe2: {  	s21 =	sand.u32 $0x7F, s20  }
0xe3: {  	s18 =	sadd.s32 s7, s18;
	s22 =	simm.s32 $0x20;
	s20 =	simm.s32 $0x2;
	v15 =	vmov s21  }
.LBB2_7:
0xe4: {  	p1 =	sne.s32 s20, $0x27F;
	v16 =	vor.u32 s21, v9;
	v15 =	vand.u32 $0x7, v15;
	s23 =	sand.u32 $0xFFFFF000, s22  }
0xe5: {  	s22 =	sand.u32 $0x3FFFF000, s22;
	s21 =	sshll.u32 s21, $0x5;
	v16 =	vand.u32 $0x3F8, v16;
	v15 =	vor.u32 s23, v15;
	[tilespmem:v14+s1+$0x0] =	vst.idx.msk $0xffff, v12  }
.Ltmp2:
0xe6: {  	s21 =	sor.u32 s21, s22;
	v15 =	vor.u32 v16, v15;
	[tilespmem:v13+s1+$0x0] =	vst.idx.msk $0xffff, v11;
	(pc) =	sbr.rel @p1 .LBB2_7-.Ltmp2, $4  }
0xe7: {  	v12 =	vld [tilespmem:s21+$0x4500];
	v14 =	vor.u32 v5, v15  }
0xe8: {  	v13 =	vor.u32 v10, v15;
	v11 =	vld [tilespmem:s21+$0x4510]  }
0xe9: {  	s21 =	sand.u32 $0x7F, s20  }
0xea: {  	s22 =	sshll.u32 s20, $0x5;
	s20 =	sadd.s32 $0x1, s20;
	v15 =	vmov s21  }
0xeb: {  	_ =	sdelay $0x1  }
0xec: {  	s20 =	smul.u32 $0x1A, s11  }
0xed: {  	v16 =	vor.u32 s21, v9;
	v15 =	vand.u32 $0x7, v15;
	s23 =	sand.u32 $0xFFFFF000, s22  }
0xee: {  	s22 =	sand.u32 $0x3FFFF000, s22;
	v15 =	vor.u32 s23, v15;
	s23 =	sshll.u32 s21, $0x5;
	v16 =	vand.u32 $0x3F8, v16;
	[tilespmem:v14+s1+$0x0] =	vst.idx.msk $0xffff, v12;
	s20 =	sshrl.u32 s20, $0x7  }
0xef: {  	s21 =	sor.u32 s23, s22;
	v62 =	vor.u32 v16, v15;
	[tilespmem:v13+s1+$0x0] =	vst.idx.msk $0xffff, v11;
	s23 =	smul.u32 $0xFFFFFFF6, s20  }
0xf0: {  	v11 =	vld [tilespmem:s21+$0x4500];
	v63 =	vor.u32 v5, v62  }
0xf1: {  	v14 =	vld [tilespmem:s21+$0x4510];
	v12 =	vor.u32 v10, v62;
	s23 =	sadd.s32 s19, s23  }
0xf2: {  	p1 =	seq.s32 s11, $0x13;
	s20 =	sadd.s32 s7, s20;
	s21 =	smul.u32 $0x280000, s23  }
.Ltmp3:
0xf3: {  	s20 =	sshll.u32 s20, $0xA;
	(pc) =	sbr.rel @p1 .LBB2_12-.Ltmp3, $4  }
0xf4: {  	s20 =	sadd.s32 s20, s21  }
0xf5: {  	[tilespmem:v63+s1+$0x0] =	vst.idx.msk $0xffff, v11;
	s20 =	sshrl.u32 s20, $0x3  }
0xf6: {  	[tilespmem:v12+s1+$0x0] =	vst.idx.msk $0xffff, v14;
	s20 =	sadd.s32 s5, s20  }
0xf7: {  	[hbm4b:s20+s6] =	stream.strided.scatter [tilespmem:s1], [sflag:$0x3], $0x5000, s8, s6, $0x38;
	[tilespmem:$0x18500] =	vst v63  }
0xf8: {  	s19 =	sadd.s32 $0x2, s19  }
0xf9: {  	s20 =	smul.u32 $0xD, s19;
	_ =	sdelay $0x1  }
0xfa: {  	s20 =	sshrl.u32 s20, $0x7  }
0xfb: {  	s21 =	smul.u32 $0xFFFFFFF6, s20;
	_ =	sdelay $0x1  }
0xfc: {  	s19 =	sadd.s32 s19, s21  }
0xfd: {  	p1 =	sne.s32 s19, $0x0  }
0xfe: {  	s19 =	sadd.s32 @!p1 s7, s20  }
0xff: {  	s19 =	sshll.u32 @!p1 s19, $0xB  }
0x100: {  	s20 =	rddreg [dreg:$0x1];
	s19 =	sand.u32 @!p1 $0x1FFFF800, s19  }
0x101: {  	s23 =	sadd.s32 $0x0, s17;
	s19 =	sadd.s32 @!p1 s20, s19;
	s20 =	simm.s32 @!p1 $0x0  }
0x102: {  	v11 =	vadd.s32 s23, v0;
	[tilespmem:s20], [sflag:$0x5] =	stream.linear.gather @!p1 [hbm4b:s19+s20], $0x4000, $0x38;
	[tilespmem:$0x18500] =	vst v63  }
0x103: {  	s19 =	simm.s32 @!p1 $0x5  }
0x104: {  	_ =	swait.ge @!p1 [sflag:s19], $0x4000  }
0x105: {  	[sflag:s19] =	ssyncset.done @!p1 $0x0  }
0x106: {  	[sflag:s19] =	ssyncadd.s32 @!p1 $0xFFFFC000  }
0x107: {  	v11 =	vld.idx.msk [tilespmem:v11+s3+$0x0], $0xffff  }
0x108: {  	v12 =	vadd.s32 s23, v1;
	_ =	sdelay $0x2  }
0x109: {  	s19 =	simm.s32 $0x4040  }
0x10a: {  	[tilespmem:s19+$0xFFFFFFC0] =	vst v11  }
0x10b: {  	v11 =	vld.idx.msk [tilespmem:v12+s3+$0x0], $0xffff  }
0x10c: {  	v58 =	vadd.s32 s23, v2;
	_ =	sdelay $0x3  }
0x10d: {  	[tilespmem:s19+$0xFFFFFFD0] =	vst v11  }
0x10e: {  	v11 =	vld.idx.msk [tilespmem:v58+s3+$0x0], $0xffff  }
0x10f: {  	v59 =	vadd.s32 s23, v3;
	_ =	sdelay $0x3  }
0x110: {  	[tilespmem:s19+$0xFFFFFFE0] =	vst v11  }
0x111: {  	v11 =	vld.idx.msk [tilespmem:v59+s3+$0x0], $0xffff  }
0x112: {  	v60 =	vadd.s32 s23, v4;
	_ =	sdelay $0x3  }
0x113: {  	[tilespmem:s19+$0xFFFFFFF0] =	vst v11  }
0x114: {  	v11 =	vld.idx.msk [tilespmem:v60+s3+$0x0], $0xffff  }
0x115: {  	v61 =	vadd.s32 s23, v6;
	_ =	sdelay $0x3  }
0x116: {  	[tilespmem:s19+$0x0] =	vst v11  }
0x117: {  	v11 =	vld.idx.msk [tilespmem:v61+s3+$0x0], $0xffff  }
0x118: {  	v62 =	vadd.s32 s23, v7;
	_ =	sdelay $0x3  }
0x119: {  	[tilespmem:s19+$0x10] =	vst v11  }
0x11a: {  	v11 =	vld.idx.msk [tilespmem:v62+s3+$0x0], $0xffff  }
0x11b: {  	v63 =	vadd.s32 s23, v8;
	_ =	sdelay $0x3  }
0x11c: {  	[tilespmem:s19+$0x20] =	vst v11  }
0x11d: {  	s21 =	simm.s32 $0x2;
	s20 =	sadd.s32 $0x1, s17;
	v11 =	vld.idx.msk [tilespmem:v63+s3+$0x0], $0xffff  }
.LBB2_10:
0x11e: {  	p1 =	sne.s32 s21, $0x4;
	v12 =	vadd.s32 s20, v0;
	_ =	sdelay $0x3  }
0x11f: {  	[tilespmem:s19+$0x30] =	vst v11  }
0x120: {  	v11 =	vld.idx.msk [tilespmem:v12+s3+$0x0], $0xffff;
	_ =	sdelay $0x1  }
0x121: {  	v12 =	vadd.s32 s20, v1;
	_ =	sdelay $0x2  }
0x122: {  	s19 =	sadd.s32 $0x80, s19  }
0x123: {  	[tilespmem:s19+$0xFFFFFFC0] =	vst v11  }
0x124: {  	v11 =	vld.idx.msk [tilespmem:v12+s3+$0x0], $0xffff;
	_ =	sdelay $0x1  }
0x125: {  	v12 =	vadd.s32 s20, v2;
	_ =	sdelay $0x3  }
0x126: {  	[tilespmem:s19+$0xFFFFFFD0] =	vst v11  }
0x127: {  	v11 =	vld.idx.msk [tilespmem:v12+s3+$0x0], $0xffff;
	_ =	sdelay $0x1  }
0x128: {  	v12 =	vadd.s32 s20, v3;
	_ =	sdelay $0x3  }
0x129: {  	[tilespmem:s19+$0xFFFFFFE0] =	vst v11  }
0x12a: {  	v11 =	vld.idx.msk [tilespmem:v12+s3+$0x0], $0xffff;
	_ =	sdelay $0x1  }
0x12b: {  	v12 =	vadd.s32 s20, v4;
	_ =	sdelay $0x3  }
0x12c: {  	[tilespmem:s19+$0xFFFFFFF0] =	vst v11  }
0x12d: {  	v11 =	vld.idx.msk [tilespmem:v12+s3+$0x0], $0xffff;
	_ =	sdelay $0x1  }
0x12e: {  	v12 =	vadd.s32 s20, v6;
	_ =	sdelay $0x3  }
0x12f: {  	[tilespmem:s19+$0x0] =	vst v11  }
0x130: {  	v11 =	vld.idx.msk [tilespmem:v12+s3+$0x0], $0xffff;
	_ =	sdelay $0x1  }
0x131: {  	v12 =	vadd.s32 s20, v7;
	_ =	sdelay $0x3  }
0x132: {  	[tilespmem:s19+$0x10] =	vst v11  }
0x133: {  	v11 =	vld.idx.msk [tilespmem:v12+s3+$0x0], $0xffff;
	_ =	sdelay $0x1  }
0x134: {  	v12 =	vadd.s32 s20, v8;
	_ =	sdelay $0x1  }
.Ltmp4:
0x135: {  	(pc) =	sbr.rel @p1 .LBB2_10-.Ltmp4, $4  }
0x136: {  	_ = 	snop  }
0x137: {  	[tilespmem:s19+$0x20] =	vst v11  }
0x138: {  	v11 =	vld.idx.msk [tilespmem:v12+s3+$0x0], $0xffff  }
0x139: {  	s20 =	sadd.s32 s21, s17;
	s21 =	sadd.s32 $0x1, s21  }
0x13a: {  	v12 =	vadd.s32 s20, v0;
	_ =	sdelay $0x3  }
0x13b: {  	[tilespmem:s19+$0x30] =	vst v11  }
0x13c: {  	v11 =	vld.idx.msk [tilespmem:v12+s3+$0x0], $0xffff  }
0x13d: {  	v57 =	vadd.s32 s20, v1;
	_ =	sdelay $0x2  }
0x13e: {  	s17 =	sadd.s32 $0x80, s19  }
0x13f: {  	[tilespmem:s17+$0xFFFFFFC0] =	vst v11  }
0x140: {  	v11 =	vld.idx.msk [tilespmem:v57+s3+$0x0], $0xffff  }
0x141: {  	v58 =	vadd.s32 s20, v2;
	_ =	sdelay $0x3  }
0x142: {  	[tilespmem:s17+$0xFFFFFFD0] =	vst v11  }
0x143: {  	v11 =	vld.idx.msk [tilespmem:v58+s3+$0x0], $0xffff  }
0x144: {  	v59 =	vadd.s32 s20, v3;
	_ =	sdelay $0x3  }
0x145: {  	[tilespmem:s17+$0xFFFFFFE0] =	vst v11  }
0x146: {  	v11 =	vld.idx.msk [tilespmem:v59+s3+$0x0], $0xffff  }
0x147: {  	v60 =	vadd.s32 s20, v4;
	_ =	sdelay $0x3  }
0x148: {  	[tilespmem:s17+$0xFFFFFFF0] =	vst v11  }
0x149: {  	v11 =	vld.idx.msk [tilespmem:v60+s3+$0x0], $0xffff  }
0x14a: {  	v61 =	vadd.s32 s20, v6;
	_ =	sdelay $0x3  }
0x14b: {  	[tilespmem:s17+$0x0] =	vst v11  }
0x14c: {  	v11 =	vld.idx.msk [tilespmem:v61+s3+$0x0], $0xffff  }
0x14d: {  	v62 =	vadd.s32 s20, v7;
	_ =	sdelay $0x3  }
0x14e: {  	[tilespmem:s17+$0x10] =	vst v11  }
0x14f: {  	v11 =	vld.idx.msk [tilespmem:v62+s3+$0x0], $0xffff  }
0x150: {  	v63 =	vadd.s32 s20, v8;
	_ =	sdelay $0x3  }
0x151: {  	[tilespmem:s17+$0x20] =	vst v11  }
0x152: {  	v11 =	vld.idx.msk [tilespmem:v63+s3+$0x0], $0xffff;
	_ =	sdelay $0x4  }
0x153: {  	s22 =	simm.s32 $0x4000;
	s23 =	simm.s32 $0x4500;
	[tilespmem:s17+$0x30] =	vst v11  }
0x154: {  	[tilespmem:s23], [sflag:$0x1] =	stream.indirect.gather [hbm4b:s4+s10], $0x20, s22, s10, $0xb8;
	[tilespmem:$0x18500] =	vst v63  }
0x155: {  	s20 =	simm.s32 $0x4080;
	s21 =	simm.s32 $0x5500  }
0x156: {  	[tilespmem:s21], [sflag:$0x1] =	stream.indirect.gather [hbm4b:s4+s10], $0x20, s20, s10, $0xb8;
	[tilespmem:$0x18500] =	vst v63  }
0x157: {  	s22 =	simm.s32 $0x4100;
	s23 =	simm.s32 $0x6500  }
0x158: {  	[tilespmem:s23], [sflag:$0x1] =	stream.indirect.gather [hbm4b:s4+s10], $0x20, s22, s10, $0xb8;
	[tilespmem:$0x18500] =	vst v63  }
0x159: {  	s20 =	simm.s32 $0x4180;
	s21 =	simm.s32 $0x7500  }
0x15a: {  	[tilespmem:s21], [sflag:$0x1] =	stream.indirect.gather [hbm4b:s4+s10], $0x20, s20, s10, $0xb8;
	[tilespmem:$0x18500] =	vst v63  }
0x15b: {  	s22 =	simm.s32 $0x4200;
	s23 =	simm.s32 $0x8500  }
0x15c: {  	[tilespmem:s23], [sflag:$0x1] =	stream.indirect.gather [hbm4b:s4+s10], $0x20, s22, s10, $0xb8;
	[tilespmem:$0x18500] =	vst v63  }
.LBB2_12:
0x15d: {  	_ =	swait.ge [sflag:s9], $0x1000  }
0x15e: {  	[sflag:s9] =	ssyncset.done $0x0  }
0x15f: {  	[sflag:s9] =	ssyncadd.s32 $0xFFFFF000  }
0x160: {  	_ =	swait.ge [sflag:s9], $0x1000  }
0x161: {  	[sflag:s9] =	ssyncset.done $0x0  }
0x162: {  	[sflag:s9] =	ssyncadd.s32 $0xFFFFF000  }
0x163: {  	_ =	swait.ge [sflag:s9], $0x1000  }
0x164: {  	[sflag:s9] =	ssyncset.done $0x0  }
0x165: {  	[sflag:s9] =	ssyncadd.s32 $0xFFFFF000  }
0x166: {  	_ =	swait.ge [sflag:s9], $0x1000  }
0x167: {  	[sflag:s9] =	ssyncset.done $0x0  }
0x168: {  	[sflag:s9] =	ssyncadd.s32 $0xFFFFF000  }
0x169: {  	s19 =	simm.s32 $0x0;
	_ =	swait.ge [sflag:s9], $0x1000  }
0x16a: {  	s19 =	sand.u32 $0x7F, s19;
	[sflag:s9] =	ssyncset.done $0x0  }
0x16b: {  	s17 =	simm.s32 @!p0 $0x4;
	s20 =	simm.s32 $0x0;
	v11 =	vmov s19;
	[sflag:s9] =	ssyncadd.s32 $0xFFFFF000  }
0x16c: {  	s21 =	sand.u32 $0xFFFFF000, s20;
	v12 =	vor.u32 s19, v9;
	v11 =	vand.u32 $0x7, v11;
	_ =	swait.ge @!p0 [sflag:s17], $0x5000  }
0x16d: {  	s20 =	sand.u32 $0x3FFFF000, s20;
	s19 =	sshll.u32 s19, $0x5;
	v12 =	vand.u32 $0x3F8, v12;
	v11 =	vor.u32 s21, v11;
	[sflag:s17] =	ssyncset.done @!p0 $0x0  }
0x16e: {  	s20 =	sor.u32 s19, s20;
	v13 =	vor.u32 v12, v11;
	[sflag:s17] =	ssyncadd.s32 @!p0 $0xFFFFB000  }
0x16f: {  	v14 =	vor.u32 v5, v13;
	v12 =	vld [tilespmem:s20+$0x9500]  }
0x170: {  	s23 =	simm.s32 $0x1;
	v13 =	vor.u32 v10, v13;
	v11 =	vld [tilespmem:s20+$0x9510]  }
0x171: {  	s19 =	sand.u32 $0x7F, s23  }
0x172: {  	v15 =	vmov s19;
	s17 =	simm.s32 $0x2;
	s20 =	simm.s32 $0x20  }
.LBB2_13:
0x173: {  	p0 =	sne.s32 s17, $0x27F;
	v16 =	vor.u32 s19, v9;
	v15 =	vand.u32 $0x7, v15;
	s21 =	sand.u32 $0xFFFFF000, s20  }
0x174: {  	s20 =	sand.u32 $0x3FFFF000, s20;
	s19 =	sshll.u32 s19, $0x5;
	v16 =	vand.u32 $0x3F8, v16;
	v15 =	vor.u32 s21, v15;
	[tilespmem:v14+s2+$0x0] =	vst.idx.msk $0xffff, v12  }
.Ltmp5:
0x175: {  	s19 =	sor.u32 s19, s20;
	v15 =	vor.u32 v16, v15;
	[tilespmem:v13+s2+$0x0] =	vst.idx.msk $0xffff, v11;
	(pc) =	sbr.rel @p0 .LBB2_13-.Ltmp5, $4  }
0x176: {  	v12 =	vld [tilespmem:s19+$0x9500];
	v14 =	vor.u32 v5, v15  }
0x177: {  	v13 =	vor.u32 v10, v15;
	v11 =	vld [tilespmem:s19+$0x9510]  }
0x178: {  	s19 =	sand.u32 $0x7F, s17  }
0x179: {  	s20 =	sshll.u32 s17, $0x5;
	s17 =	sadd.s32 $0x1, s17;
	v15 =	vmov s19  }
0x17a: {  	_ =	sdelay $0x2  }
0x17b: {  	v16 =	vor.u32 s19, v9;
	v15 =	vand.u32 $0x7, v15;
	s17 =	sand.u32 $0xFFFFF000, s20  }
0x17c: {  	s23 =	sand.u32 $0x3FFFF000, s20;
	s21 =	sshll.u32 s19, $0x5;
	v16 =	vand.u32 $0x3F8, v16;
	v15 =	vor.u32 s17, v15;
	[tilespmem:v14+s2+$0x0] =	vst.idx.msk $0xffff, v12  }
0x17d: {  	s22 =	sor.u32 s21, s23;
	v62 =	vor.u32 v16, v15;
	[tilespmem:v13+s2+$0x0] =	vst.idx.msk $0xffff, v11  }
0x17e: {  	v11 =	vld [tilespmem:s22+$0x9500];
	v63 =	vor.u32 v5, v62  }
0x17f: {  	s11 =	sadd.s32 $0x1, s11;
	v14 =	vld [tilespmem:s22+$0x9510];
	v12 =	vor.u32 v10, v62  }
0x180: {  	s16 =	smul.u32 $0x280000, s16;
	p0 =	sne.s32 s11, $0x14  }
.Ltmp6:
0x181: {  	s23 =	sshll.u32 s18, $0xA;
	(pc) =	sbr.rel @p0 .LBB2_4-.Ltmp6, $4  }
0x182: {  	s16 =	sadd.s32 s23, s16  }
0x183: {  	s12 =	sadd.s32 $0xA, s12;
	s13 =	sadd.s32 $0x1A, s13;
	s16 =	sshrl.u32 s16, $0x3;
	[tilespmem:v63+s2+$0x0] =	vst.idx.msk $0xffff, v11  }
0x184: {  	s14 =	sadd.s32 $0xA, s14;
	s15 =	sadd.s32 $0x1A, s15;
	s16 =	sadd.s32 s5, s16;
	[tilespmem:v12+s2+$0x0] =	vst.idx.msk $0xffff, v14  }
0x185: {  	[hbm4b:s16+s6] =	stream.strided.scatter [tilespmem:s2], [sflag:$0x4], $0x5000, s8, s6, $0x38;
	[tilespmem:$0x18500] =	vst v63  }
0x186: {  	s11 =	simm.s32 $0x3  }
0x187: {  	_ =	swait.ge [sflag:s11], $0x5000  }
0x188: {  	[sflag:s11] =	ssyncset.done $0x0  }
0x189: {  	s12 =	simm.s32 $0x4;
	[sflag:s11] =	ssyncadd.s32 $0xFFFFB000  }
0x18a: {  	_ =	swait.ge [sflag:s12], $0x5000  }
0x18b: {  	s13 =	rddreg [dreg:$0x5]  }
0x18c: {  	s23 =	rddreg [dreg:$0x4];
	s13 =	sadd.s32 $0x1, s13  }
0x18d: {  	p0 =	sne.s32 s13, s23  }
.Ltmp7:
0x18e: {  	_ = 	snop;
	(pc) =	sbr.rel @p0 .LBB2_1-.Ltmp7, $3  }
0x18f: {  	_ =	sdelay $0x1  }
0x190: {  	[sflag:s12] =	ssyncset.done $0x0  }
0x191: {  	[sflag:s12] =	ssyncadd.s32 $0xFFFFB000  }
0x192: {  	_ =	sfence.sel $0x180000  }
0x193: {  	[bflag:$0x0] =	sbarrier.arrive $0xFFFF  }
0x194: {  	_ =	strace $0x90000047  }
0x195: {  	s0 =	stileid.u32;
	[bflag:$0x2] =	sbarrier.arrive $0xFFFF  }
0x196: {  	p0 =	sne.s32 s0, $0x0;
	s0 =	rddreg [dreg:$0x2]  }
0x197: {  	s0 =	sadd.s32 @!p0 $0x100000, s0  }
0x198: {  	[sflag:s0] =	ssyncadd.tile.s32 @!p0 $0x1;
	_ =	shalt  }
.Lfunc_end2:
_tile_overlayer_lowered:
.L_overlay_start_2:
0x199: {  	(tag) =	ssettag $0x2  }
0x19a: {  	s0 =	rddreg [dreg:$0x0];
	s2 =	stileid.u32  }
0x19b: {  	s1 =	rddreg [dreg:$0x1];
	p0 =	sne.s32 s2, $0x0  }
0x19c: {  	s3 =	rddreg [dreg:$0x2];
	[bflag:$0x3] =	sbarrier.arrive $0xFFFF;
	s2 =	simm.s32 @!p0 $0x1C05  }
0x19d: {  	[timem:s3], [sflag:s2] =	dma.local @!p0 [hbm:s0], s1  }
0x19e: {  	s0 =	simm.s32 @!p0 $0x5  }
0x19f: {  	_ =	swait.ge @!p0 [sflag:s0], s1  }
0x1a0: {  	s1 =	ssub.s32 @!p0 $0x0, s1;
	[sflag:s0] =	ssyncset.done @!p0 $0x0  }
0x1a1: {  	[sflag:s0] =	ssyncadd.s32 @!p0 s1  }
0x1a2: {  	[bflag:$0x3] =	sbarrier.arrive $0xFFFF  }
0x1a3: {  	_ =	shalt  }

</sc_bundles>
